<compile_context>
chip_gen: v7x
topology: tpu7x:2x2x1
jax: 0.10.2.dev20260603
libtpu: 0.0.44.dev20260713+nightly
codegen_flags: <defaults>
</compile_context>

<pallas_src>
import functools

import numpy as np
import jax
import jax.numpy as jnp
from jax import lax
from jax.experimental import pallas as pl
from jax.experimental.pallas import tpu as pltpu
from jax.experimental.pallas import tpu_sc as plsc

N_EMBED = 26
VOCAB = 100000
D_EMBED = 32
D_MODEL = 768
T = 512
B = 32
NTOK = T * B
NFEAT = N_EMBED * D_EMBED

NC = 2
NS = 16
NW = NC * NS
LINES_PER_W = NFEAT // NW

CH = 4096
NCH = NTOK // CH


def _pos_encoding(d_model, max_len):
    position = np.arange(max_len, dtype=np.float32)[:, None]
    div_term = np.exp(
        np.arange(0, d_model, 2, dtype=np.float32) * (-np.log(10000.0) / d_model)
    )
    pe = np.zeros((max_len, d_model), dtype=np.float32)
    pe[:, 0::2] = np.sin(position * div_term)
    pe[:, 1::2] = np.cos(position * div_term)
    return pe


_PE = _pos_encoding(D_MODEL, T)


NSLOT = 3


def _gather_body(xf_hbm, tab_hbm, h_hbm, line_v, idx_v, out_v, s0, s1, s2):
    wid = lax.axis_index("s") * NC + lax.axis_index("c")
    sems = [s0, s1, s2]

    def out_desc(f, c, slot):
        return pltpu.make_async_copy(
            out_v.at[pl.ds(slot * CH, CH)],
            h_hbm.at[f, pl.ds(c * CH, CH)],
            sems[slot],
        )

    def do_line(k, carry):
        f = wid * LINES_PER_W + k
        i = f >> 5
        d = f & 31

        @pl.when(jnp.logical_or(k == 0, d == 0))
        def _():
            pltpu.sync_copy(xf_hbm.at[pl.ds(i * NTOK, NTOK)], idx_v)

        pltpu.sync_copy(tab_hbm.at[i, d], line_v)

        for c in range(NCH):
            slot = c % NSLOT
            if c >= NSLOT:
                out_desc(f, c - NSLOT, slot).wait()
            else:
                @pl.when(k > 0)
                def _(slot=slot, c=c):
                    out_desc(f, c, slot).wait()

            @plsc.parallel_loop(0, CH // 16, unroll=32)
            def do_vec(j, c=c, slot=slot):
                ids = idx_v[pl.ds(c * CH + j * 16, 16)]
                out_v[pl.ds(slot * CH + j * 16, 16)] = plsc.load_gather(
                    line_v, [ids]
                )

            out_desc(f, c, slot).start()
        return carry

    lax.fori_loop(0, LINES_PER_W, do_line, 0)
    for slot in range(NSLOT):
        out_desc(wid * LINES_PER_W, 0, slot).wait()


_gather = functools.partial(
    pl.kernel,
    mesh=plsc.VectorSubcoreMesh(core_axis_name="c", subcore_axis_name="s"),
    compiler_params=pltpu.CompilerParams(needs_layout_passes=False),
    out_type=jax.ShapeDtypeStruct((NFEAT, NTOK), jnp.float32),
    scratch_types=[
        pltpu.VMEM((VOCAB,), jnp.float32),
        pltpu.VMEM((NTOK,), jnp.int32),
        pltpu.VMEM((NSLOT * CH,), jnp.float32),
        pltpu.SemaphoreType.DMA,
        pltpu.SemaphoreType.DMA,
        pltpu.SemaphoreType.DMA,
    ],
)(_gather_body)


TM = 64


def _proj_body(h_ref, w_ref, b_ref, pe_ref, out_ref):
    h_bf = h_ref[...].astype(jnp.bfloat16)
    acc = lax.dot_general(
        h_bf,
        w_ref[...],
        (((0,), (0,)), ((), ())),
        preferred_element_type=jnp.float32,
    )
    acc = acc + b_ref[...]
    acc = jnp.maximum(acc, 0.0)
    acc = acc.reshape(TM, B, D_MODEL) + pe_ref[...][:, None, :]
    out_ref[...] = acc


def _projection(h, w_bf, b2, pe):
    return pl.pallas_call(
        _proj_body,
        grid=(T // TM,),
        in_specs=[
            pl.BlockSpec((NFEAT, TM * B), lambda m: (0, m)),
            pl.BlockSpec((NFEAT, D_MODEL), lambda m: (0, 0)),
            pl.BlockSpec((1, D_MODEL), lambda m: (0, 0)),
            pl.BlockSpec((TM, D_MODEL), lambda m: (m, 0)),
        ],
        out_specs=pl.BlockSpec((TM, B, D_MODEL), lambda m: (m, 0, 0)),
        out_shape=jax.ShapeDtypeStruct((T, B, D_MODEL), jnp.float32),
    )(h, w_bf, b2, pe)


def kernel(x, tables, W, b):
    tab_t = jnp.transpose(tables, (0, 2, 1))
    xf = x.reshape(-1)
    h = _gather(xf, tab_t)
    return _projection(
        h,
        W.astype(jnp.bfloat16),
        b.reshape(1, D_MODEL),
        _PE,
    )

# --- scband reference (transcript-rebuilt; emitter-appended) ---
"""Pipeline reference for scband-note-events-embedding-90520730731157 (READ-ONLY COPY).

The authoritative reference and input builder live on the scoring server;
editing this copy changes nothing except your own understanding.
"""

import jax, jax.numpy as jnp
import numpy as np

N_EMBED = 26
VOCAB = 100000
D_EMBED = 32
D_MODEL = 768
MAX_LEN = 512
T = 512
B = 32


def _positional_encoding(d_model, max_len):
    position = np.arange(max_len, dtype=np.float32)[:, None]
    div_term = np.exp(np.arange(0, d_model, 2, dtype=np.float32) * (-np.log(10000.0) / d_model))
    pe = np.zeros((max_len, d_model), dtype=np.float32)
    pe[:, 0::2] = np.sin(position * div_term)
    pe[:, 1::2] = np.cos(position * div_term)
    return jnp.asarray(pe)


def setup_inputs(seed: int = 0):
    key = jax.random.key(seed)
    k1, k2, k3, k4 = jax.random.split(key, 4)
    x = jax.random.randint(k1, (N_EMBED, T, B), 0, VOCAB, dtype=jnp.int32)
    tables = jax.random.normal(k2, (N_EMBED, VOCAB, D_EMBED), dtype=jnp.float32) * 0.02
    # nn.Embedding(padding_idx=0): row 0 of each table is zero
    tables = tables.at[:, 0, :].set(0.0)
    W = jax.random.normal(k3, (N_EMBED * D_EMBED, D_MODEL), dtype=jnp.float32) * (1.0 / np.sqrt(N_EMBED * D_EMBED))
    b = jax.random.normal(k4, (D_MODEL,), dtype=jnp.float32) * 0.01
    return {"x": x, "tables": tables, "W": W, "b": b}


def reference(x, tables, W, b):
    # per-field embedding lookup: tables[i][x[i]] -> [T, B, D_EMBED]
    embs = [jnp.take(tables[i], x[i], axis=0) for i in range(N_EMBED)]
    h = jnp.concatenate(embs, axis=-1)  # [T, B, N_EMBED*D_EMBED]
    # embed_linear: Linear + ReLU (dropout=0.0 -> identity)
    h = jnp.maximum(h @ W + b, 0.0)  # [T, B, D_MODEL]
    # positional encoding: x + pe[:T][:, None]
    pe = _positional_encoding(D_MODEL, MAX_LEN)
    h = h + pe[: h.shape[0]][:, None]
    return h

if __name__ == "__main__":
    import jax
    _d = setup_inputs()
    print(jax.jit(kernel)(*tuple(_d.values())))

</pallas_src>

<mosaic_0001>
#map = affine_map<(d0, d1) -> (0)>
#map1 = affine_map<(d0, d1) -> (0, 0, 0)>
#map2 = affine_map<(d0, d1) -> (0, 0)>
module attributes {stable_mosaic.version = 14 : i64} {
  func.func @_gather_body(%arg0: i32, %arg1: i32, %arg2: memref<425984xi32, #tpu.memory_space<hbm>>, %arg3: memref<26x32x100000xf32, #tpu.memory_space<hbm>>, %arg4: memref<832x16384xf32, #tpu.memory_space<hbm>>, %arg5: memref<100000xf32, #tpu.memory_space<vmem>>, %arg6: memref<16384xi32, #tpu.memory_space<vmem>>, %arg7: memref<12288xf32, #tpu.memory_space<vmem>>, %arg8: memref<!tpu.dma_semaphore, #tpu.memory_space<semaphore_mem>>, %arg9: memref<!tpu.dma_semaphore, #tpu.memory_space<semaphore_mem>>, %arg10: memref<!tpu.dma_semaphore, #tpu.memory_space<semaphore_mem>>) attributes {dimension_semantics = [#tpu.dimension_semantics<core_parallel>, #tpu.dimension_semantics<subcore_parallel>], iteration_bounds = array<i64: 2, 16>, scalar_prefetch = 0 : i64, scratch_operands = 6 : i64, tpu.core_type = #tpu.core_type<sc_vector_subcore>, window_params = [{transform_indices = #map}, {transform_indices = #map1}, {transform_indices = #map2}]} {
    %mul3A = arith.constant 2 : i32
    %mul3A_0 = arith.muli %arg1, %mul3A : i32
    %add3A = arith.addi %mul3A_0, %arg0 : i32
    %scan3A = arith.constant 0 : i32
    %scan3A_1 = arith.constant 0 : i32
    %scan3A_2 = arith.constant 26 : i32
    %scan3A_3 = arith.addi %scan3A_1, %scan3A_2 : i32
    %scan3A_4 = arith.constant 1 : i32
    scf.for %scan3A_41 = %scan3A_1 to %scan3A_3 step %scan3A_4  : i32 {
      %mul3A_42 = arith.constant 26 : i32
      %mul3A_43 = arith.muli %add3A, %mul3A_42 : i32
      %add3A_44 = arith.addi %mul3A_43, %scan3A_41 : i32
      %shift_right_arithmetic3A = arith.constant 5 : i32
      %shift_right_arithmetic3A_45 = arith.shrsi %add3A_44, %shift_right_arithmetic3A : i32
      %and3A = arith.constant 31 : i32
      %and3A_46 = arith.andi %add3A_44, %and3A : i32
      %eq3A = arith.constant 0 : i32
      %eq3A_47 = arith.cmpi eq, %scan3A_41, %eq3A : i32
      %eq3A_48 = arith.constant 0 : i32
      %eq3A_49 = arith.cmpi eq, %and3A_46, %eq3A_48 : i32
      %or3A = arith.ori %eq3A_47, %eq3A_49 : i1
      %convert_element_type3A = arith.extui %or3A : i1 to i32
      %cond3A = arith.constant 0 : i32
      %cond3A_50 = arith.cmpi ne, %convert_element_type3A, %cond3A : i32
      scf.if %cond3A_50 {
        %mul3A_125 = arith.constant 16384 : i32
        %mul3A_126 = arith.muli %shift_right_arithmetic3A_45, %mul3A_125 : i32
        "tpu.region"() ({
          %run_scoped3A = tpu.sem_alloc : memref<!tpu.dma_semaphore, #tpu.memory_space<semaphore_mem>>
          %dma_start3A_127 = tpu.memref_slice %arg2[%mul3A_126] : memref<425984xi32, #tpu.memory_space<hbm>> -> memref<16384xi32, #tpu.memory_space<hbm>>
          %dma_start3A_128 = tpu.memref_slice %arg2[%mul3A_126] : memref<425984xi32, #tpu.memory_space<hbm>> -> memref<16384xi32, #tpu.memory_space<hbm>>
          tpu.enqueue_dma source(%dma_start3A_128 : memref<16384xi32, #tpu.memory_space<hbm>>) target(%arg6 : memref<16384xi32, #tpu.memory_space<vmem>>) target_semaphore(%run_scoped3A : memref<!tpu.dma_semaphore, #tpu.memory_space<semaphore_mem>>)
          %dma_wait3A_129 = tpu.memref_slice %arg2[%mul3A_126] : memref<425984xi32, #tpu.memory_space<hbm>> -> memref<16384xi32, #tpu.memory_space<hbm>>
          %dma_wait3A_130 = tpu.memref_slice %arg2[%mul3A_126] : memref<425984xi32, #tpu.memory_space<hbm>> -> memref<16384xi32, #tpu.memory_space<hbm>>
          tpu.wait_dma2 semaphore(%run_scoped3A : memref<!tpu.dma_semaphore, #tpu.memory_space<semaphore_mem>>) src(%dma_wait3A_130 : memref<16384xi32, #tpu.memory_space<hbm>>) dst(%arg6 : memref<16384xi32, #tpu.memory_space<vmem>>)
          tpu.yield
        }) : () -> ()
      } else {
      }
      "tpu.region"() ({
        %run_scoped3A = tpu.sem_alloc : memref<!tpu.dma_semaphore, #tpu.memory_space<semaphore_mem>>
        %dma_start3A_125 = arith.constant 0 : i32
        %dma_start3A_126 = tpu.memref_slice %arg3[%shift_right_arithmetic3A_45, %and3A_46, %dma_start3A_125] : memref<26x32x100000xf32, #tpu.memory_space<hbm>> -> memref<1x1x100000xf32, #tpu.memory_space<hbm>>
        %dma_start3A_127 = tpu.memref_squeeze %dma_start3A_126 : memref<1x1x100000xf32, #tpu.memory_space<hbm>> -> memref<100000xf32, #tpu.memory_space<hbm>>
        %dma_start3A_128 = arith.constant 0 : i32
        %dma_start3A_129 = tpu.memref_slice %arg3[%shift_right_arithmetic3A_45, %and3A_46, %dma_start3A_128] : memref<26x32x100000xf32, #tpu.memory_space<hbm>> -> memref<1x1x100000xf32, #tpu.memory_space<hbm>>
        %dma_start3A_130 = tpu.memref_squeeze %dma_start3A_129 : memref<1x1x100000xf32, #tpu.memory_space<hbm>> -> memref<100000xf32, #tpu.memory_space<hbm>>
        tpu.enqueue_dma source(%dma_start3A_130 : memref<100000xf32, #tpu.memory_space<hbm>>) target(%arg5 : memref<100000xf32, #tpu.memory_space<vmem>>) target_semaphore(%run_scoped3A : memref<!tpu.dma_semaphore, #tpu.memory_space<semaphore_mem>>)
        %dma_wait3A_131 = arith.constant 0 : i32
        %dma_wait3A_132 = tpu.memref_slice %arg3[%shift_right_arithmetic3A_45, %and3A_46, %dma_wait3A_131] : memref<26x32x100000xf32, #tpu.memory_space<hbm>> -> memref<1x1x100000xf32, #tpu.memory_space<hbm>>
        %dma_wait3A_133 = tpu.memref_squeeze %dma_wait3A_132 : memref<1x1x100000xf32, #tpu.memory_space<hbm>> -> memref<100000xf32, #tpu.memory_space<hbm>>
        %dma_wait3A_134 = arith.constant 0 : i32
        %dma_wait3A_135 = tpu.memref_slice %arg3[%shift_right_arithmetic3A_45, %and3A_46, %dma_wait3A_134] : memref<26x32x100000xf32, #tpu.memory_space<hbm>> -> memref<1x1x100000xf32, #tpu.memory_space<hbm>>
        %dma_wait3A_136 = tpu.memref_squeeze %dma_wait3A_135 : memref<1x1x100000xf32, #tpu.memory_space<hbm>> -> memref<100000xf32, #tpu.memory_space<hbm>>
        tpu.wait_dma2 semaphore(%run_scoped3A : memref<!tpu.dma_semaphore, #tpu.memory_space<semaphore_mem>>) src(%dma_wait3A_136 : memref<100000xf32, #tpu.memory_space<hbm>>) dst(%arg5 : memref<100000xf32, #tpu.memory_space<vmem>>)
        tpu.yield
      }) : () -> ()
      %gt3A = arith.constant 0 : i32
      %gt3A_51 = arith.cmpi sgt, %scan3A_41, %gt3A : i32
      %convert_element_type3A_52 = arith.extui %gt3A_51 : i1 to i32
      %cond3A_53 = arith.constant 0 : i32
      %cond3A_54 = arith.cmpi ne, %convert_element_type3A_52, %cond3A_53 : i32
      scf.if %cond3A_54 {
        %dma_wait3A_125 = arith.constant 0 : i32
        %dma_wait3A_126 = tpu.memref_slice %arg7[%dma_wait3A_125] : memref<12288xf32, #tpu.memory_space<vmem>> -> memref<4096xf32, #tpu.memory_space<vmem>>
        %dma_wait3A_127 = arith.constant 0 : i32
        %dma_wait3A_128 = tpu.memref_slice %arg4[%add3A_44, %dma_wait3A_127] : memref<832x16384xf32, #tpu.memory_space<hbm>> -> memref<1x4096xf32, #tpu.memory_space<hbm>>
        %dma_wait3A_129 = tpu.memref_squeeze %dma_wait3A_128 : memref<1x4096xf32, #tpu.memory_space<hbm>> -> memref<4096xf32, #tpu.memory_space<hbm>>
        %dma_wait3A_130 = arith.constant 0 : i32
        %dma_wait3A_131 = tpu.memref_slice %arg4[%add3A_44, %dma_wait3A_130] : memref<832x16384xf32, #tpu.memory_space<hbm>> -> memref<1x4096xf32, #tpu.memory_space<hbm>>
        %dma_wait3A_132 = tpu.memref_squeeze %dma_wait3A_131 : memref<1x4096xf32, #tpu.memory_space<hbm>> -> memref<4096xf32, #tpu.memory_space<hbm>>
        %dma_wait3A_133 = arith.constant 0 : i32
        %dma_wait3A_134 = tpu.memref_slice %arg7[%dma_wait3A_133] : memref<12288xf32, #tpu.memory_space<vmem>> -> memref<4096xf32, #tpu.memory_space<vmem>>
        tpu.wait_dma2 semaphore(%arg8 : memref<!tpu.dma_semaphore, #tpu.memory_space<semaphore_mem>>) src(%dma_wait3A_134 : memref<4096xf32, #tpu.memory_space<vmem>>) dst(%dma_wait3A_132 : memref<4096xf32, #tpu.memory_space<hbm>>)
      } else {
      }
      %parallel_loop3A = arith.constant 0 : i32
      %parallel_loop3A_55 = arith.constant 256 : i32
      %parallel_loop3A_56 = arith.constant 1 : i32
      scf.for %parallel_loop3A_125 = %parallel_loop3A to %parallel_loop3A_55 step %parallel_loop3A_56  : i32 {
        %parallel_loop3A_126 = arith.constant 16 : i32
        %parallel_loop3A_127 = arith.muli %parallel_loop3A_125, %parallel_loop3A_126 : i32
        %parallel_loop3A_128 = arith.constant 0 : i32
        %parallel_loop3A_129 = arith.addi %parallel_loop3A_128, %parallel_loop3A_127 : i32
        %parallel_loop3A_130 = arith.index_cast %parallel_loop3A_129 : i32 to index
        %parallel_loop3A_131 = tpu.vector_load %arg6[%parallel_loop3A_130] {strides = array<i32>} : memref<16384xi32, #tpu.memory_space<vmem>>, vector<16xi32>,
        %parallel_loop3A_132 = tpu.vector_load_idx %arg5[%parallel_loop3A_131] : memref<100000xf32, #tpu.memory_space<vmem>>[vector<16xi32>], vector<16xf32>,
        %parallel_loop3A_133 = arith.constant 16 : i32
        %parallel_loop3A_134 = arith.muli %parallel_loop3A_125, %parallel_loop3A_133 : i32
        %parallel_loop3A_135 = arith.constant 0 : i32
        %parallel_loop3A_136 = arith.addi %parallel_loop3A_135, %parallel_loop3A_134 : i32
        %parallel_loop3A_137 = arith.index_cast %parallel_loop3A_136 : i32 to index
        %parallel_loop3A_138 = tpu.vector_load %arg7[%parallel_loop3A_137] {strides = array<i32>} : memref<12288xf32, #tpu.memory_space<vmem>>, vector<16xf32>,
        tpu.vector_store %arg7[%parallel_loop3A_137], %parallel_loop3A_132 {strides = array<i32>} : memref<12288xf32, #tpu.memory_space<vmem>>, vector<16xf32>,
      } {sc.loop_unroll_factor = 32 : i64, sc.parallel_access}
      %dma_start3A = arith.constant 0 : i32
      %dma_start3A_57 = tpu.memref_slice %arg7[%dma_start3A] : memref<12288xf32, #tpu.memory_space<vmem>> -> memref<4096xf32, #tpu.memory_space<vmem>>
      %dma_start3A_58 = arith.constant 0 : i32
      %dma_start3A_59 = tpu.memref_slice %arg4[%add3A_44, %dma_start3A_58] : memref<832x16384xf32, #tpu.memory_space<hbm>> -> memref<1x4096xf32, #tpu.memory_space<hbm>>
      %dma_start3A_60 = tpu.memref_squeeze %dma_start3A_59 : memref<1x4096xf32, #tpu.memory_space<hbm>> -> memref<4096xf32, #tpu.memory_space<hbm>>
      %dma_start3A_61 = arith.constant 0 : i32
      %dma_start3A_62 = tpu.memref_slice %arg4[%add3A_44, %dma_start3A_61] : memref<832x16384xf32, #tpu.memory_space<hbm>> -> memref<1x4096xf32, #tpu.memory_space<hbm>>
      %dma_start3A_63 = tpu.memref_squeeze %dma_start3A_62 : memref<1x4096xf32, #tpu.memory_space<hbm>> -> memref<4096xf32, #tpu.memory_space<hbm>>
      %dma_start3A_64 = arith.constant 0 : i32
      %dma_start3A_65 = tpu.memref_slice %arg7[%dma_start3A_64] : memref<12288xf32, #tpu.memory_space<vmem>> -> memref<4096xf32, #tpu.memory_space<vmem>>
      tpu.enqueue_dma source(%dma_start3A_65 : memref<4096xf32, #tpu.memory_space<vmem>>) target(%dma_start3A_63 : memref<4096xf32, #tpu.memory_space<hbm>>) target_semaphore(%arg8 : memref<!tpu.dma_semaphore, #tpu.memory_space<semaphore_mem>>)
      %gt3A_66 = arith.constant 0 : i32
      %gt3A_67 = arith.cmpi sgt, %scan3A_41, %gt3A_66 : i32
      %convert_element_type3A_68 = arith.extui %gt3A_67 : i1 to i32
      %cond3A_69 = arith.constant 0 : i32
      %cond3A_70 = arith.cmpi ne, %convert_element_type3A_68, %cond3A_69 : i32
      scf.if %cond3A_70 {
        %dma_wait3A_125 = arith.constant 4096 : i32
        %dma_wait3A_126 = tpu.memref_slice %arg7[%dma_wait3A_125] : memref<12288xf32, #tpu.memory_space<vmem>> -> memref<4096xf32, #tpu.memory_space<vmem>>
        %dma_wait3A_127 = arith.constant 4096 : i32
        %dma_wait3A_128 = tpu.memref_slice %arg4[%add3A_44, %dma_wait3A_127] : memref<832x16384xf32, #tpu.memory_space<hbm>> -> memref<1x4096xf32, #tpu.memory_space<hbm>>
        %dma_wait3A_129 = tpu.memref_squeeze %dma_wait3A_128 : memref<1x4096xf32, #tpu.memory_space<hbm>> -> memref<4096xf32, #tpu.memory_space<hbm>>
        %dma_wait3A_130 = arith.constant 4096 : i32
        %dma_wait3A_131 = tpu.memref_slice %arg4[%add3A_44, %dma_wait3A_130] : memref<832x16384xf32, #tpu.memory_space<hbm>> -> memref<1x4096xf32, #tpu.memory_space<hbm>>
        %dma_wait3A_132 = tpu.memref_squeeze %dma_wait3A_131 : memref<1x4096xf32, #tpu.memory_space<hbm>> -> memref<4096xf32, #tpu.memory_space<hbm>>
        %dma_wait3A_133 = arith.constant 4096 : i32
        %dma_wait3A_134 = tpu.memref_slice %arg7[%dma_wait3A_133] : memref<12288xf32, #tpu.memory_space<vmem>> -> memref<4096xf32, #tpu.memory_space<vmem>>
        tpu.wait_dma2 semaphore(%arg9 : memref<!tpu.dma_semaphore, #tpu.memory_space<semaphore_mem>>) src(%dma_wait3A_134 : memref<4096xf32, #tpu.memory_space<vmem>>) dst(%dma_wait3A_132 : memref<4096xf32, #tpu.memory_space<hbm>>)
      } else {
      }
      %parallel_loop3A_71 = arith.constant 0 : i32
      %parallel_loop3A_72 = arith.constant 256 : i32
      %parallel_loop3A_73 = arith.constant 1 : i32
      scf.for %parallel_loop3A_125 = %parallel_loop3A_71 to %parallel_loop3A_72 step %parallel_loop3A_73  : i32 {
        %parallel_loop3A_126 = arith.constant 16 : i32
        %parallel_loop3A_127 = arith.muli %parallel_loop3A_125, %parallel_loop3A_126 : i32
        %parallel_loop3A_128 = arith.constant 4096 : i32
        %parallel_loop3A_129 = arith.addi %parallel_loop3A_128, %parallel_loop3A_127 : i32
        %parallel_loop3A_130 = arith.index_cast %parallel_loop3A_129 : i32 to index
        %parallel_loop3A_131 = tpu.vector_load %arg6[%parallel_loop3A_130] {strides = array<i32>} : memref<16384xi32, #tpu.memory_space<vmem>>, vector<16xi32>,
        %parallel_loop3A_132 = tpu.vector_load_idx %arg5[%parallel_loop3A_131] : memref<100000xf32, #tpu.memory_space<vmem>>[vector<16xi32>], vector<16xf32>,
        %parallel_loop3A_133 = arith.constant 16 : i32
        %parallel_loop3A_134 = arith.muli %parallel_loop3A_125, %parallel_loop3A_133 : i32
        %parallel_loop3A_135 = arith.constant 4096 : i32
        %parallel_loop3A_136 = arith.addi %parallel_loop3A_135, %parallel_loop3A_134 : i32
        %parallel_loop3A_137 = arith.index_cast %parallel_loop3A_136 : i32 to index
        %parallel_loop3A_138 = tpu.vector_load %arg7[%parallel_loop3A_137] {strides = array<i32>} : memref<12288xf32, #tpu.memory_space<vmem>>, vector<16xf32>,
        tpu.vector_store %arg7[%parallel_loop3A_137], %parallel_loop3A_132 {strides = array<i32>} : memref<12288xf32, #tpu.memory_space<vmem>>, vector<16xf32>,
      } {sc.loop_unroll_factor = 32 : i64, sc.parallel_access}
      %dma_start3A_74 = arith.constant 4096 : i32
      %dma_start3A_75 = tpu.memref_slice %arg7[%dma_start3A_74] : memref<12288xf32, #tpu.memory_space<vmem>> -> memref<4096xf32, #tpu.memory_space<vmem>>
      %dma_start3A_76 = arith.constant 4096 : i32
      %dma_start3A_77 = tpu.memref_slice %arg4[%add3A_44, %dma_start3A_76] : memref<832x16384xf32, #tpu.memory_space<hbm>> -> memref<1x4096xf32, #tpu.memory_space<hbm>>
      %dma_start3A_78 = tpu.memref_squeeze %dma_start3A_77 : memref<1x4096xf32, #tpu.memory_space<hbm>> -> memref<4096xf32, #tpu.memory_space<hbm>>
      %dma_start3A_79 = arith.constant 4096 : i32
      %dma_start3A_80 = tpu.memref_slice %arg4[%add3A_44, %dma_start3A_79] : memref<832x16384xf32, #tpu.memory_space<hbm>> -> memref<1x4096xf32, #tpu.memory_space<hbm>>
      %dma_start3A_81 = tpu.memref_squeeze %dma_start3A_80 : memref<1x4096xf32, #tpu.memory_space<hbm>> -> memref<4096xf32, #tpu.memory_space<hbm>>
      %dma_start3A_82 = arith.constant 4096 : i32
      %dma_start3A_83 = tpu.memref_slice %arg7[%dma_start3A_82] : memref<12288xf32, #tpu.memory_space<vmem>> -> memref<4096xf32, #tpu.memory_space<vmem>>
      tpu.enqueue_dma source(%dma_start3A_83 : memref<4096xf32, #tpu.memory_space<vmem>>) target(%dma_start3A_81 : memref<4096xf32, #tpu.memory_space<hbm>>) target_semaphore(%arg9 : memref<!tpu.dma_semaphore, #tpu.memory_space<semaphore_mem>>)
      %gt3A_84 = arith.constant 0 : i32
      %gt3A_85 = arith.cmpi sgt, %scan3A_41, %gt3A_84 : i32
      %convert_element_type3A_86 = arith.extui %gt3A_85 : i1 to i32
      %cond3A_87 = arith.constant 0 : i32
      %cond3A_88 = arith.cmpi ne, %convert_element_type3A_86, %cond3A_87 : i32
      scf.if %cond3A_88 {
        %dma_wait3A_125 = arith.constant 8192 : i32
        %dma_wait3A_126 = tpu.memref_slice %arg7[%dma_wait3A_125] : memref<12288xf32, #tpu.memory_space<vmem>> -> memref<4096xf32, #tpu.memory_space<vmem>>
        %dma_wait3A_127 = arith.constant 8192 : i32
        %dma_wait3A_128 = tpu.memref_slice %arg4[%add3A_44, %dma_wait3A_127] : memref<832x16384xf32, #tpu.memory_space<hbm>> -> memref<1x4096xf32, #tpu.memory_space<hbm>>
        %dma_wait3A_129 = tpu.memref_squeeze %dma_wait3A_128 : memref<1x4096xf32, #tpu.memory_space<hbm>> -> memref<4096xf32, #tpu.memory_space<hbm>>
        %dma_wait3A_130 = arith.constant 8192 : i32
        %dma_wait3A_131 = tpu.memref_slice %arg4[%add3A_44, %dma_wait3A_130] : memref<832x16384xf32, #tpu.memory_space<hbm>> -> memref<1x4096xf32, #tpu.memory_space<hbm>>
        %dma_wait3A_132 = tpu.memref_squeeze %dma_wait3A_131 : memref<1x4096xf32, #tpu.memory_space<hbm>> -> memref<4096xf32, #tpu.memory_space<hbm>>
        %dma_wait3A_133 = arith.constant 8192 : i32
        %dma_wait3A_134 = tpu.memref_slice %arg7[%dma_wait3A_133] : memref<12288xf32, #tpu.memory_space<vmem>> -> memref<4096xf32, #tpu.memory_space<vmem>>
        tpu.wait_dma2 semaphore(%arg10 : memref<!tpu.dma_semaphore, #tpu.memory_space<semaphore_mem>>) src(%dma_wait3A_134 : memref<4096xf32, #tpu.memory_space<vmem>>) dst(%dma_wait3A_132 : memref<4096xf32, #tpu.memory_space<hbm>>)
      } else {
      }
      %parallel_loop3A_89 = arith.constant 0 : i32
      %parallel_loop3A_90 = arith.constant 256 : i32
      %parallel_loop3A_91 = arith.constant 1 : i32
      scf.for %parallel_loop3A_125 = %parallel_loop3A_89 to %parallel_loop3A_90 step %parallel_loop3A_91  : i32 {
        %parallel_loop3A_126 = arith.constant 16 : i32
        %parallel_loop3A_127 = arith.muli %parallel_loop3A_125, %parallel_loop3A_126 : i32
        %parallel_loop3A_128 = arith.constant 8192 : i32
        %parallel_loop3A_129 = arith.addi %parallel_loop3A_128, %parallel_loop3A_127 : i32
        %parallel_loop3A_130 = arith.index_cast %parallel_loop3A_129 : i32 to index
        %parallel_loop3A_131 = tpu.vector_load %arg6[%parallel_loop3A_130] {strides = array<i32>} : memref<16384xi32, #tpu.memory_space<vmem>>, vector<16xi32>,
        %parallel_loop3A_132 = tpu.vector_load_idx %arg5[%parallel_loop3A_131] : memref<100000xf32, #tpu.memory_space<vmem>>[vector<16xi32>], vector<16xf32>,
        %parallel_loop3A_133 = arith.constant 16 : i32
        %parallel_loop3A_134 = arith.muli %parallel_loop3A_125, %parallel_loop3A_133 : i32
        %parallel_loop3A_135 = arith.constant 8192 : i32
        %parallel_loop3A_136 = arith.addi %parallel_loop3A_135, %parallel_loop3A_134 : i32
        %parallel_loop3A_137 = arith.index_cast %parallel_loop3A_136 : i32 to index
        %parallel_loop3A_138 = tpu.vector_load %arg7[%parallel_loop3A_137] {strides = array<i32>} : memref<12288xf32, #tpu.memory_space<vmem>>, vector<16xf32>,
        tpu.vector_store %arg7[%parallel_loop3A_137], %parallel_loop3A_132 {strides = array<i32>} : memref<12288xf32, #tpu.memory_space<vmem>>, vector<16xf32>,
      } {sc.loop_unroll_factor = 32 : i64, sc.parallel_access}
      %dma_start3A_92 = arith.constant 8192 : i32
      %dma_start3A_93 = tpu.memref_slice %arg7[%dma_start3A_92] : memref<12288xf32, #tpu.memory_space<vmem>> -> memref<4096xf32, #tpu.memory_space<vmem>>
      %dma_start3A_94 = arith.constant 8192 : i32
      %dma_start3A_95 = tpu.memref_slice %arg4[%add3A_44, %dma_start3A_94] : memref<832x16384xf32, #tpu.memory_space<hbm>> -> memref<1x4096xf32, #tpu.memory_space<hbm>>
      %dma_start3A_96 = tpu.memref_squeeze %dma_start3A_95 : memref<1x4096xf32, #tpu.memory_space<hbm>> -> memref<4096xf32, #tpu.memory_space<hbm>>
      %dma_start3A_97 = arith.constant 8192 : i32
      %dma_start3A_98 = tpu.memref_slice %arg4[%add3A_44, %dma_start3A_97] : memref<832x16384xf32, #tpu.memory_space<hbm>> -> memref<1x4096xf32, #tpu.memory_space<hbm>>
      %dma_start3A_99 = tpu.memref_squeeze %dma_start3A_98 : memref<1x4096xf32, #tpu.memory_space<hbm>> -> memref<4096xf32, #tpu.memory_space<hbm>>
      %dma_start3A_100 = arith.constant 8192 : i32
      %dma_start3A_101 = tpu.memref_slice %arg7[%dma_start3A_100] : memref<12288xf32, #tpu.memory_space<vmem>> -> memref<4096xf32, #tpu.memory_space<vmem>>
      tpu.enqueue_dma source(%dma_start3A_101 : memref<4096xf32, #tpu.memory_space<vmem>>) target(%dma_start3A_99 : memref<4096xf32, #tpu.memory_space<hbm>>) target_semaphore(%arg10 : memref<!tpu.dma_semaphore, #tpu.memory_space<semaphore_mem>>)
      %dma_wait3A_102 = arith.constant 0 : i32
      %dma_wait3A_103 = tpu.memref_slice %arg7[%dma_wait3A_102] : memref<12288xf32, #tpu.memory_space<vmem>> -> memref<4096xf32, #tpu.memory_space<vmem>>
      %dma_wait3A_104 = arith.constant 0 : i32
      %dma_wait3A_105 = tpu.memref_slice %arg4[%add3A_44, %dma_wait3A_104] : memref<832x16384xf32, #tpu.memory_space<hbm>> -> memref<1x4096xf32, #tpu.memory_space<hbm>>
      %dma_wait3A_106 = tpu.memref_squeeze %dma_wait3A_105 : memref<1x4096xf32, #tpu.memory_space<hbm>> -> memref<4096xf32, #tpu.memory_space<hbm>>
      %dma_wait3A_107 = arith.constant 0 : i32
      %dma_wait3A_108 = tpu.memref_slice %arg4[%add3A_44, %dma_wait3A_107] : memref<832x16384xf32, #tpu.memory_space<hbm>> -> memref<1x4096xf32, #tpu.memory_space<hbm>>
      %dma_wait3A_109 = tpu.memref_squeeze %dma_wait3A_108 : memref<1x4096xf32, #tpu.memory_space<hbm>> -> memref<4096xf32, #tpu.memory_space<hbm>>
      %dma_wait3A_110 = arith.constant 0 : i32
      %dma_wait3A_111 = tpu.memref_slice %arg7[%dma_wait3A_110] : memref<12288xf32, #tpu.memory_space<vmem>> -> memref<4096xf32, #tpu.memory_space<vmem>>
      tpu.wait_dma2 semaphore(%arg8 : memref<!tpu.dma_semaphore, #tpu.memory_space<semaphore_mem>>) src(%dma_wait3A_111 : memref<4096xf32, #tpu.memory_space<vmem>>) dst(%dma_wait3A_109 : memref<4096xf32, #tpu.memory_space<hbm>>)
      %parallel_loop3A_112 = arith.constant 0 : i32
      %parallel_loop3A_113 = arith.constant 256 : i32
      %parallel_loop3A_114 = arith.constant 1 : i32
      scf.for %parallel_loop3A_125 = %parallel_loop3A_112 to %parallel_loop3A_113 step %parallel_loop3A_114  : i32 {
        %parallel_loop3A_126 = arith.constant 16 : i32
        %parallel_loop3A_127 = arith.muli %parallel_loop3A_125, %parallel_loop3A_126 : i32
        %parallel_loop3A_128 = arith.constant 12288 : i32
        %parallel_loop3A_129 = arith.addi %parallel_loop3A_128, %parallel_loop3A_127 : i32
        %parallel_loop3A_130 = arith.index_cast %parallel_loop3A_129 : i32 to index
        %parallel_loop3A_131 = tpu.vector_load %arg6[%parallel_loop3A_130] {strides = array<i32>} : memref<16384xi32, #tpu.memory_space<vmem>>, vector<16xi32>,
        %parallel_loop3A_132 = tpu.vector_load_idx %arg5[%parallel_loop3A_131] : memref<100000xf32, #tpu.memory_space<vmem>>[vector<16xi32>], vector<16xf32>,
        %parallel_loop3A_133 = arith.constant 16 : i32
        %parallel_loop3A_134 = arith.muli %parallel_loop3A_125, %parallel_loop3A_133 : i32
        %parallel_loop3A_135 = arith.constant 0 : i32
        %parallel_loop3A_136 = arith.addi %parallel_loop3A_135, %parallel_loop3A_134 : i32
        %parallel_loop3A_137 = arith.index_cast %parallel_loop3A_136 : i32 to index
        %parallel_loop3A_138 = tpu.vector_load %arg7[%parallel_loop3A_137] {strides = array<i32>} : memref<12288xf32, #tpu.memory_space<vmem>>, vector<16xf32>,
        tpu.vector_store %arg7[%parallel_loop3A_137], %parallel_loop3A_132 {strides = array<i32>} : memref<12288xf32, #tpu.memory_space<vmem>>, vector<16xf32>,
      } {sc.loop_unroll_factor = 32 : i64, sc.parallel_access}
      %dma_start3A_115 = arith.constant 0 : i32
      %dma_start3A_116 = tpu.memref_slice %arg7[%dma_start3A_115] : memref<12288xf32, #tpu.memory_space<vmem>> -> memref<4096xf32, #tpu.memory_space<vmem>>
      %dma_start3A_117 = arith.constant 12288 : i32
      %dma_start3A_118 = tpu.memref_slice %arg4[%add3A_44, %dma_start3A_117] : memref<832x16384xf32, #tpu.memory_space<hbm>> -> memref<1x4096xf32, #tpu.memory_space<hbm>>
      %dma_start3A_119 = tpu.memref_squeeze %dma_start3A_118 : memref<1x4096xf32, #tpu.memory_space<hbm>> -> memref<4096xf32, #tpu.memory_space<hbm>>
      %dma_start3A_120 = arith.constant 12288 : i32
      %dma_start3A_121 = tpu.memref_slice %arg4[%add3A_44, %dma_start3A_120] : memref<832x16384xf32, #tpu.memory_space<hbm>> -> memref<1x4096xf32, #tpu.memory_space<hbm>>
      %dma_start3A_122 = tpu.memref_squeeze %dma_start3A_121 : memref<1x4096xf32, #tpu.memory_space<hbm>> -> memref<4096xf32, #tpu.memory_space<hbm>>
      %dma_start3A_123 = arith.constant 0 : i32
      %dma_start3A_124 = tpu.memref_slice %arg7[%dma_start3A_123] : memref<12288xf32, #tpu.memory_space<vmem>> -> memref<4096xf32, #tpu.memory_space<vmem>>
      tpu.enqueue_dma source(%dma_start3A_124 : memref<4096xf32, #tpu.memory_space<vmem>>) target(%dma_start3A_122 : memref<4096xf32, #tpu.memory_space<hbm>>) target_semaphore(%arg8 : memref<!tpu.dma_semaphore, #tpu.memory_space<semaphore_mem>>)
    }
    %scan3A_5 = arith.constant 26 : i32
    %mul3A_6 = arith.constant 26 : i32
    %mul3A_7 = arith.muli %add3A, %mul3A_6 : i32
    %dma_wait3A = arith.constant 0 : i32
    %dma_wait3A_8 = tpu.memref_slice %arg7[%dma_wait3A] : memref<12288xf32, #tpu.memory_space<vmem>> -> memref<4096xf32, #tpu.memory_space<vmem>>
    %dma_wait3A_9 = arith.constant 0 : i32
    %dma_wait3A_10 = tpu.memref_slice %arg4[%mul3A_7, %dma_wait3A_9] : memref<832x16384xf32, #tpu.memory_space<hbm>> -> memref<1x4096xf32, #tpu.memory_space<hbm>>
    %dma_wait3A_11 = tpu.memref_squeeze %dma_wait3A_10 : memref<1x4096xf32, #tpu.memory_space<hbm>> -> memref<4096xf32, #tpu.memory_space<hbm>>
    %dma_wait3A_12 = arith.constant 0 : i32
    %dma_wait3A_13 = tpu.memref_slice %arg4[%mul3A_7, %dma_wait3A_12] : memref<832x16384xf32, #tpu.memory_space<hbm>> -> memref<1x4096xf32, #tpu.memory_space<hbm>>
    %dma_wait3A_14 = tpu.memref_squeeze %dma_wait3A_13 : memref<1x4096xf32, #tpu.memory_space<hbm>> -> memref<4096xf32, #tpu.memory_space<hbm>>
    %dma_wait3A_15 = arith.constant 0 : i32
    %dma_wait3A_16 = tpu.memref_slice %arg7[%dma_wait3A_15] : memref<12288xf32, #tpu.memory_space<vmem>> -> memref<4096xf32, #tpu.memory_space<vmem>>
    tpu.wait_dma2 semaphore(%arg8 : memref<!tpu.dma_semaphore, #tpu.memory_space<semaphore_mem>>) src(%dma_wait3A_16 : memref<4096xf32, #tpu.memory_space<vmem>>) dst(%dma_wait3A_14 : memref<4096xf32, #tpu.memory_space<hbm>>)
    %mul3A_17 = arith.constant 26 : i32
    %mul3A_18 = arith.muli %add3A, %mul3A_17 : i32
    %dma_wait3A_19 = arith.constant 4096 : i32
    %dma_wait3A_20 = tpu.memref_slice %arg7[%dma_wait3A_19] : memref<12288xf32, #tpu.memory_space<vmem>> -> memref<4096xf32, #tpu.memory_space<vmem>>
    %dma_wait3A_21 = arith.constant 0 : i32
    %dma_wait3A_22 = tpu.memref_slice %arg4[%mul3A_18, %dma_wait3A_21] : memref<832x16384xf32, #tpu.memory_space<hbm>> -> memref<1x4096xf32, #tpu.memory_space<hbm>>
    %dma_wait3A_23 = tpu.memref_squeeze %dma_wait3A_22 : memref<1x4096xf32, #tpu.memory_space<hbm>> -> memref<4096xf32, #tpu.memory_space<hbm>>
    %dma_wait3A_24 = arith.constant 0 : i32
    %dma_wait3A_25 = tpu.memref_slice %arg4[%mul3A_18, %dma_wait3A_24] : memref<832x16384xf32, #tpu.memory_space<hbm>> -> memref<1x4096xf32, #tpu.memory_space<hbm>>
    %dma_wait3A_26 = tpu.memref_squeeze %dma_wait3A_25 : memref<1x4096xf32, #tpu.memory_space<hbm>> -> memref<4096xf32, #tpu.memory_space<hbm>>
    %dma_wait3A_27 = arith.constant 4096 : i32
    %dma_wait3A_28 = tpu.memref_slice %arg7[%dma_wait3A_27] : memref<12288xf32, #tpu.memory_space<vmem>> -> memref<4096xf32, #tpu.memory_space<vmem>>
    tpu.wait_dma2 semaphore(%arg9 : memref<!tpu.dma_semaphore, #tpu.memory_space<semaphore_mem>>) src(%dma_wait3A_28 : memref<4096xf32, #tpu.memory_space<vmem>>) dst(%dma_wait3A_26 : memref<4096xf32, #tpu.memory_space<hbm>>)
    %mul3A_29 = arith.constant 26 : i32
    %mul3A_30 = arith.muli %add3A, %mul3A_29 : i32
    %dma_wait3A_31 = arith.constant 8192 : i32
    %dma_wait3A_32 = tpu.memref_slice %arg7[%dma_wait3A_31] : memref<12288xf32, #tpu.memory_space<vmem>> -> memref<4096xf32, #tpu.memory_space<vmem>>
    %dma_wait3A_33 = arith.constant 0 : i32
    %dma_wait3A_34 = tpu.memref_slice %arg4[%mul3A_30, %dma_wait3A_33] : memref<832x16384xf32, #tpu.memory_space<hbm>> -> memref<1x4096xf32, #tpu.memory_space<hbm>>
    %dma_wait3A_35 = tpu.memref_squeeze %dma_wait3A_34 : memref<1x4096xf32, #tpu.memory_space<hbm>> -> memref<4096xf32, #tpu.memory_space<hbm>>
    %dma_wait3A_36 = arith.constant 0 : i32
    %dma_wait3A_37 = tpu.memref_slice %arg4[%mul3A_30, %dma_wait3A_36] : memref<832x16384xf32, #tpu.memory_space<hbm>> -> memref<1x4096xf32, #tpu.memory_space<hbm>>
    %dma_wait3A_38 = tpu.memref_squeeze %dma_wait3A_37 : memref<1x4096xf32, #tpu.memory_space<hbm>> -> memref<4096xf32, #tpu.memory_space<hbm>>
    %dma_wait3A_39 = arith.constant 8192 : i32
    %dma_wait3A_40 = tpu.memref_slice %arg7[%dma_wait3A_39] : memref<12288xf32, #tpu.memory_space<vmem>> -> memref<4096xf32, #tpu.memory_space<vmem>>
    tpu.wait_dma2 semaphore(%arg10 : memref<!tpu.dma_semaphore, #tpu.memory_space<semaphore_mem>>) src(%dma_wait3A_40 : memref<4096xf32, #tpu.memory_space<vmem>>) dst(%dma_wait3A_38 : memref<4096xf32, #tpu.memory_space<hbm>>)
    return
  }
}

module attributes {stable_mosaic.version = 14 : i64} {
  func.func @_proj_body(%arg0: i32, %arg1: memref<832x2048xf32, #tpu.memory_space<vmem>>, %arg2: memref<832x768xbf16, #tpu.memory_space<vmem>>, %arg3: memref<1x768xf32, #tpu.memory_space<vmem>>, %arg4: memref<64x768xf32, #tpu.memory_space<vmem>>, %arg5: memref<64x32x768xf32, #tpu.memory_space<vmem>>) attributes {dimension_semantics = [#tpu.dimension_semantics<arbitrary>], iteration_bounds = array<i64: 8>, scalar_prefetch = 0 : i64, scratch_operands = 0 : i64, tpu.core_type = #tpu.core_type<tc>, window_params = [{transform_indices = @transform_0, window_bounds = array<i64: 832, 2048>}, {pipeline_mode = #tpu.pipeline_mode<synchronous>, transform_indices = @transform_1, window_bounds = array<i64: 832, 768>}, {pipeline_mode = #tpu.pipeline_mode<synchronous>, transform_indices = @transform_2, window_bounds = array<i64: 1, 768>}, {transform_indices = @transform_3, window_bounds = array<i64: 64, 768>}, {transform_indices = @transform_4, window_bounds = array<i64: 64, 32, 768>}]} {
    %get3A = arith.constant 0 : index
    %get3A_0 = arith.constant 0 : index
    %get3A_1 = vector.load %arg1[%get3A, %get3A_0] : memref<832x2048xf32, #tpu.memory_space<vmem>>, vector<832x2048xf32>
    %convert_element_type3A = arith.truncf %get3A_1 : vector<832x2048xf32> to vector<832x2048xbf16>
    %get3A_2 = arith.constant 0 : index
    %get3A_3 = arith.constant 0 : index
    %get3A_4 = vector.load %arg2[%get3A_2, %get3A_3] : memref<832x768xbf16, #tpu.memory_space<vmem>>, vector<832x768xbf16>
    %dot_general3A = arith.constant dense<0.000000e+00> : vector<2048x768xf32>
    %dot_general3A_5 = tpu.matmul %convert_element_type3A, %get3A_4, %dot_general3A {dimension_numbers = #tpu.dot_dimension_numbers<[0], [0], [1], [1], [0, 1, 1, 1], [], []>, transpose_lhs_hint = false} : vector<832x2048xbf16>, vector<832x768xbf16>, vector<2048x768xf32> -> vector<2048x768xf32>
    %get3A_6 = arith.constant 0 : index
    %get3A_7 = arith.constant 0 : index
    %get3A_8 = vector.load %arg3[%get3A_6, %get3A_7] : memref<1x768xf32, #tpu.memory_space<vmem>>, vector<1x768xf32>
    %add3A = vector.broadcast %get3A_8 : vector<1x768xf32> to vector<2048x768xf32>
    %add3A_9 = arith.addf %dot_general3A_5, %add3A : vector<2048x768xf32>
    %max3A = arith.constant 0.000000e+00 : f32
    %max3A_10 = vector.broadcast %max3A : f32 to vector<2048x768xf32>
    %max3A_11 = arith.maximumf %add3A_9, %max3A_10 : vector<2048x768xf32>
    %reshape3A = vector.shape_cast %max3A_11 : vector<2048x768xf32> to vector<64x32x768xf32>
    %get3A_12 = arith.constant 0 : index
    %get3A_13 = arith.constant 0 : index
    %get3A_14 = vector.load %arg4[%get3A_12, %get3A_13] : memref<64x768xf32, #tpu.memory_space<vmem>>, vector<64x768xf32>
    %broadcast_in_dim3A = vector.shape_cast %get3A_14 : vector<64x768xf32> to vector<64x1x768xf32>
    %add3A_15 = vector.broadcast %broadcast_in_dim3A : vector<64x1x768xf32> to vector<64x32x768xf32>
    %add3A_16 = arith.addf %reshape3A, %add3A_15 : vector<64x32x768xf32>
    %swap3A = arith.constant 0 : index
    %swap3A_17 = arith.constant 0 : index
    %swap3A_18 = arith.constant 0 : index
    %swap3A_19 = vector.load %arg5[%swap3A, %swap3A_17, %swap3A_18] : memref<64x32x768xf32, #tpu.memory_space<vmem>>, vector<64x32x768xf32>
    tpu.vector_store %arg5[%swap3A, %swap3A_17, %swap3A_18], %add3A_16 {strides = array<i32>} : memref<64x32x768xf32, #tpu.memory_space<vmem>>, vector<64x32x768xf32>,
    return
  }
  func.func @transform_0(%arg0: i32) -> (i32, i32) {
    %c0_i32 = arith.constant 0 : i32
    %c0_i32_0 = arith.constant 0 : i32
    return %c0_i32, %arg0 : i32, i32
  }
  func.func @transform_1(%arg0: i32) -> (i32, i32) {
    %c0_i32 = arith.constant 0 : i32
    %c0_i32_0 = arith.constant 0 : i32
    %c0_i32_1 = arith.constant 0 : i32
    return %c0_i32, %c0_i32_0 : i32, i32
  }
  func.func @transform_2(%arg0: i32) -> (i32, i32) {
    %c0_i32 = arith.constant 0 : i32
    %c0_i32_0 = arith.constant 0 : i32
    %c0_i32_1 = arith.constant 0 : i32
    return %c0_i32, %c0_i32_0 : i32, i32
  }
  func.func @transform_3(%arg0: i32) -> (i32, i32) {
    %c0_i32 = arith.constant 0 : i32
    %c0_i32_0 = arith.constant 0 : i32
    return %arg0, %c0_i32 : i32, i32
  }
  func.func @transform_4(%arg0: i32) -> (i32, i32, i32) {
    %c0_i32 = arith.constant 0 : i32
    %c0_i32_0 = arith.constant 0 : i32
    %c0_i32_1 = arith.constant 0 : i32
    return %arg0, %c0_i32, %c0_i32_0 : i32, i32, i32
  }
}

</mosaic_0001>

<sc_bundles>
// kernel: kernel.4.cloned.1.call-start
scs
__scs_entry_jumppad:
0x0: {  	(pc) =	sbr.rel $0x88, $3  }
0x1: {  	(tag) =	ssettag $0x0;
	lr =	simm.s32 $0x1  }
0x2: {  	[smem:$0x3F9D] =	sst lr;
	_ =	strace $0xD0000000  }
0x3: {  	_ = 	snop  }
0x4: {  	_ = 	snop  }
0x5: {  	_ = 	snop  }
0x6: {  	_ = 	snop  }
0x7: {  	_ = 	snop  }
__scs_overlays_trampoline_lowered:
0x8: {  	[smem:$0x3FAC] =	sst s0  }
0x9: {  	[smem:$0x3FAD] =	sst s1  }
0xa: {  	[smem:$0x3FAE] =	sst s2  }
0xb: {  	[smem:$0x3FAF] =	sst s3  }
0xc: {  	[smem:$0x3FB0] =	sst s4  }
0xd: {  	[smem:$0x3FB1] =	sst s5  }
0xe: {  	[smem:$0x3FB2] =	sst s6  }
0xf: {  	[smem:$0x3FB3] =	sst s7  }
0x10: {  	[smem:$0x3FB4] =	sst s8  }
0x11: {  	[smem:$0x3FB5] =	sst s9;
	s0 =	simm.s32 @!p0 $0x0  }
0x12: {  	s1 =	sld [smem:$0x3F9B];
	s0 =	simm.s32 @p0 $0x1  }
0x13: {  	[smem:$0x3FB6] =	sst s0;
	s0 =	simm.s32 @!p1 $0x0  }
0x14: {  	s2 =	sld [smem:$0x3F9A];
	s0 =	simm.s32 @p1 $0x1  }
0x15: {  	[smem:$0x3FB7] =	sst s0;
	s0 =	simm.s32 @!p2 $0x0  }
0x16: {  	s3 =	sld [smem:$0x3FDB];
	s0 =	simm.s32 @p2 $0x1  }
0x17: {  	s4 =	simm.s32 $0x1BF5;
	[smem:$0x3FB9] =	sst s0  }
0x18: {  	s0 =	sld [smem:$0x3F9C];
	_ =	swait.ge [sflag:s4], $0x0  }
0x19: {  	s7 =	sld [smem:$0x3F9D]  }
0x1a: {  	s8 =	sadd.s32 $0xFFFFE003, lr  }
0x1b: {  	s9 =	sadd.s32 $0xFFFFFEF7, lr;
	s5 =	simm.s32 $0xFFFFFFFF;
	p2 =	slt.u32 s8, $0xFFFFF086  }
0x1c: {  	p1 =	slt.u32 s9, $0xF7A;
	s5 =	simm.s32 @!p2 $0x0  }
0x1d: {  	s5 =	simm.s32 @p1 $0x1;
	p0 =	seq.s32 s7, s2  }
0x1e: {  	s7 =	smul.u32 @!p0 $0xF7A, s2;
	p2 =	seq.s32 @!p0 s5, $0x0  }
0x1f: {  	s9 =	smul.u32 $0xF7A, s1;
	s8 =	simm.s32 @!p0 $0x1BF5;
	p2 =	por !p2, p0  }
0x20: {  	[sflag:s8] =	ssyncset.s32 @!p0 $0xFFFFF086;
	s6 =	sadd.s32 @!p0 s3, s7;
	s7 =	simm.s32 @!p0 $0x108  }
0x21: {  	s3 =	sadd.s32 s3, s9;
	s6 =	sadd.s32 @!p0 $0x88, s6;
	s7 =	simm.s32 @p2 $0x1082  }
0x22: {  	[simem:s7], [sflag:s8] =	dma.local @!p0 [hbm:s6], $0xF7A  }
0x23: {  	s9 =	sor.u32 $0xD0000000, s2;
	s6 =	simm.s32 $0x108;
	_ =	swait.ge @!p0 [sflag:s8], $0x0  }
0x24: {  	s3 =	sadd.s32 $0x88, s3;
	s6 =	simm.s32 @!p1 $0x1082;
	[sflag:s4] =	ssyncset.s32 $0xFFFFF086  }
0x25: {  	[simem:s6], [sflag:s4] =	dma.local [hbm:s3], $0xF7A  }
0x26: {  	[smem:$0x3F9D] =	sst s1;
	(tag) =	ssettag s2;
	_ =	strace s9  }
0x27: {  	s1 =	sld [smem:$0x3FAD]  }
0x28: {  	s2 =	sld [smem:$0x3FAE]  }
0x29: {  	s4 =	sld [smem:$0x3FB0]  }
0x2a: {  	p0 =	seq.s32 s5, $0x0;
	s5 =	sld [smem:$0x3FB1]  }
0x2b: {  	s6 =	sld [smem:$0x3FB2]  }
0x2c: {  	s7 =	sld [smem:$0x3FB3]  }
0x2d: {  	s3 =	simm.s32 $0x108;
	s8 =	sld [smem:$0x3FB4]  }
0x2e: {  	s3 =	simm.s32 @!p0 $0x1082;
	s9 =	sld [smem:$0x3FB5]  }
0x2f: {  	lr =	sadd.s32 s0, s3;
	s0 =	sld [smem:$0x3FAC]  }
0x30: {  	s3 =	sld [smem:$0x3FAF]  }
0x31: {  	[smem:$0x3FB8] =	sst s10  }
0x32: {  	s10 =	sld [smem:$0x3FB6];
	_ =	sdelay $0x3  }
0x33: {  	p0 =	seq.s32 s10, $0x1;
	s10 =	sld [smem:$0x3FB8];
	_ =	sdelay $0x3  }
0x34: {  	[smem:$0x3FB8] =	sst s10  }
0x35: {  	s10 =	sld [smem:$0x3FB7];
	_ =	sdelay $0x3  }
0x36: {  	p1 =	seq.s32 s10, $0x1;
	s10 =	sld [smem:$0x3FB8];
	_ =	sdelay $0x3  }
0x37: {  	[smem:$0x3FB8] =	sst s10  }
0x38: {  	s10 =	sld [smem:$0x3FB9]  }
0x39: {  	_ = 	snop;
	(pc) =	sbr.ind lr, $3  }
0x3a: {  	_ = 	snop  }
0x3b: {  	_ = 	snop  }
0x3c: {  	p2 =	seq.s32 s10, $0x1;
	s10 =	sld [smem:$0x3FB8]  }
0x3d: {  	_ =	shalt  }
0x3e: {  	_ =	shalt  }
0x3f: {  	_ =	shalt  }
0x40: {  	_ =	shalt  }
0x41: {  	_ =	shalt  }
0x42: {  	_ =	shalt  }
0x43: {  	_ =	shalt  }
0x44: {  	_ =	shalt  }
0x45: {  	_ =	shalt  }
0x46: {  	_ =	shalt  }
0x47: {  	_ =	shalt  }
0x48: {  	_ =	shalt  }
0x49: {  	_ =	shalt  }
0x4a: {  	_ =	shalt  }
0x4b: {  	_ =	shalt  }
0x4c: {  	_ =	shalt  }
0x4d: {  	_ =	shalt  }
0x4e: {  	_ =	shalt  }
0x4f: {  	_ =	shalt  }
0x50: {  	_ =	shalt  }
0x51: {  	_ =	shalt  }
0x52: {  	_ =	shalt  }
0x53: {  	_ =	shalt  }
0x54: {  	_ =	shalt  }
0x55: {  	_ =	shalt  }
0x56: {  	_ =	shalt  }
0x57: {  	_ =	shalt  }
0x58: {  	_ =	shalt  }
0x59: {  	_ =	shalt  }
0x5a: {  	_ =	shalt  }
0x5b: {  	_ =	shalt  }
0x5c: {  	_ =	shalt  }
0x5d: {  	_ =	shalt  }
0x5e: {  	_ =	shalt  }
0x5f: {  	_ =	shalt  }
0x60: {  	_ =	shalt  }
0x61: {  	_ =	shalt  }
0x62: {  	_ =	shalt  }
0x63: {  	_ =	shalt  }
0x64: {  	_ =	shalt  }
0x65: {  	_ =	shalt  }
0x66: {  	_ =	shalt  }
0x67: {  	_ =	shalt  }
0x68: {  	_ =	shalt  }
0x69: {  	_ =	shalt  }
0x6a: {  	_ =	shalt  }
0x6b: {  	_ =	shalt  }
0x6c: {  	_ =	shalt  }
0x6d: {  	_ =	shalt  }
0x6e: {  	_ =	shalt  }
0x6f: {  	_ =	shalt  }
0x70: {  	_ =	shalt  }
0x71: {  	_ =	shalt  }
0x72: {  	_ =	shalt  }
0x73: {  	_ =	shalt  }
0x74: {  	_ =	shalt  }
0x75: {  	_ =	shalt  }
0x76: {  	_ =	shalt  }
0x77: {  	_ =	shalt  }
0x78: {  	_ =	shalt  }
0x79: {  	_ =	shalt  }
0x7a: {  	_ =	shalt  }
0x7b: {  	_ =	shalt  }
0x7c: {  	_ =	shalt  }
0x7d: {  	_ =	shalt  }
0x7e: {  	_ =	shalt  }
0x7f: {  	_ =	shalt  }
0x80: {  	_ =	shalt  }
0x81: {  	_ =	shalt  }
0x82: {  	_ =	shalt  }
0x83: {  	_ =	shalt  }
0x84: {  	_ =	shalt  }
0x85: {  	_ =	shalt  }
0x86: {  	_ =	shalt  }
0x87: {  	_ =	shalt  }
.Lfunc_end0:
.L_simem_size_0:
called_computation_lowered:
.L_overlay_start_0:
0x88: {  	s2 =	sld [smem:$0x3FD9]  }
0x89: {  	s3 =	sld [smem:$0x3FFE];
	_ =	sdelay $0x1  }
0x8a: {  	s1 =	srdreg.scid  }
0x8b: {  	s0 =	sand.u32 $0x1, s1  }
0x8c: {  	s17 =	sshll.u32 s0, $0xA;
	s2 =	sadd.s32 s3, s2  }
0x8d: {  	s2 =	sadd.s32 s2, s17  }
0x8e: {  	[smem:$0x3FC4] =	sst s2  }
0x8f: {  	_ = 	snop  }
0x90: {  	s2 =	sld [smem:$0x3FC8]  }
0x91: {  	s18 =	sld [smem:$0x3FD0];
	(tm) =	ssettm $0x1  }
0x92: {  	s4 =	sld [smem:$0x3FFB];
	_ =	sdelay $0x3  }
0x93: {  	_ =	strace s4  }
0x94: {  	s4 =	sld [smem:$0x3FFC];
	_ =	sdelay $0x3  }
0x95: {  	_ =	strace s4  }
0x96: {  	s4 =	sld [smem:$0x3FFD];
	_ =	sdelay $0x3  }
0x97: {  	_ =	strace s4  }
0x98: {  	_ =	strace $0x8FFFFFFF  }
0x99: {  	s19 =	sld [smem:$0x3FDB];
	_ =	sdelay $0x1  }
0x9a: {  	s5 =	simm.s32 $_scs_section_size  }
0x9b: {  	s6 =	simm.s32 $_size__tile_overlayer_lowered;
	s7 =	simm.s32 $_tile_overlayer_lowered  }
0x9c: {  	s22 =	simm.s32 $0x1BFF;
	s21 =	sshll.u32 s7, $0x1;
	s4 =	sadd.s32 s5, s19  }
0x9d: {  	s8 =	simm.s32 $0x0;
	s20 =	sshll.u32 s6, $0x1;
	s6 =	sadd.s32 s21, s4  }
0x9e: {  	[timem:s8], [sflag:s22] =	dma.local [hbm:s6], s20  }
0x9f: {  	_ =	swait.ge [sflag:s22], s20  }
0xa0: {  	s5 =	ssub.s32 $0x0, s20;
	[sflag:s22] =	ssyncset.done $0x0  }
0xa1: {  	[sflag:s22] =	ssyncadd.s32 s5;
	_ =	sdelay $0x1  }
0xa2: {  	s23 =	simm.s32 $0x1B8B  }
0xa3: {  	_ =	swait.ge [sflag:s23], $0x1  }
0xa4: {  	[sflag:s23] =	ssyncset.done $0x0  }
0xa5: {  	s25 =	simm.s32 $0x1B8E;
	s24 =	sld [smem:$0x3FFE];
	[sflag:s23] =	ssyncadd.s32 $0xFFFFFFFF  }
0xa6: {  	s26 =	simm.s32 $execute0_lowered;
	[smem:$0x3FD2] =	sst s25  }
0xa7: {  	s6 =	sshll.u32 s26, $0x1;
	_ =	strace $0x80000046;
	[dreg:$0x1] =	wrdreg $0xFFFFFFFF  }
0xa8: {  	s28 =	simm.s32 $_size_execute0_lowered;
	s4 =	sadd.s32 s4, s6;
	[dreg:$0x0] =	wrdreg $0x0  }
0xa9: {  	s6 =	sshll.u32 s28, $0x1;
	[dreg:$0x2] =	wrdreg s4  }
0xaa: {  	[dreg:$0x3] =	wrdreg s6  }
0xab: {  	[dreg:$0x4] =	wrdreg $0xC0  }
0xac: {  	_ =	task [dreg:s8], $0x5FFFF  }
0xad: {  	[dreg:$0x1] =	wrdreg $0xFFFFFFFF  }
0xae: {  	[dreg:$0x0] =	wrdreg $0x60  }
0xaf: {  	[dreg:$0x2] =	wrdreg s18  }
0xb0: {  	[dreg:$0x3] =	wrdreg s2  }
0xb1: {  	[dreg:$0x4] =	wrdreg s24  }
0xb2: {  	[dreg:$0x5] =	wrdreg $0x9  }
0xb3: {  	_ =	task.clear_ibuf [dreg:s8], $0x6FFFF;
	_ =	strace $0x90000046  }
0xb4: {  	s29 =	simm.s32 $0x9;
	_ =	strace $0x80000048  }
0xb5: {  	_ =	swait.ge [sflag:s29], $0x1  }
0xb6: {  	[sflag:s29] =	ssyncadd.s32 $0xFFFFFFFF  }
0xb7: {  	_ =	strace $0x90000048  }
0xb8: {  	_ =	sfence  }
0xb9: {  	s30 =	sld [smem:$0x0];
	_ =	sdelay $0x2  }
0xba: {  	s31 =	sshll.u32 s1, $0xD;
	s1 =	sshrl.u32 s1, $0x2  }
0xbb: {  	s3 =	sand.u32 $0x4000, s31;
	s1 =	sadd.s32 s1, s30  }
0xbc: {  	s0 =	sor.u32 s3, s0;
	s1 =	sshll.u32 s1, $0x11  }
0xbd: {  	s0 =	sor.u32 s1, s0  }
0xbe: {  	s0 =	sadd.s32 $0x8F2B, s0  }
0xbf: {  	[sflag:s0] =	ssyncadd.remote.s32 $0x1  }
0xc0: {  	_ =	sfence.sel $0xFFFF  }
0xc1: {  	[dreg:$0x0] =	wrdreg $0xFFFFFFFF;
	(pc) =	sbr.abs _section_cstart, $3  }
0xc2: {  	[dreg:$0x1] =	wrdreg $0xFFFFFFFF  }
0xc3: {  	_ =	task.clear_ibuf [dreg:s8], $0x2FFFF;
	_ =	strace $0x9FFFFFFF  }
0xc4: {  	(tm) =	ssettm $0x7FFFFFFF  }
0xc5: {  	_ =	shalt  }
tec
execute0_lowered:
.L_overlay_start_1:
0x0: {  	(tag) =	ssettag $0x1  }
0x1: {  	s1 =	rddreg [dreg:$0x0]  }
0x2: {  	s2 =	rddreg [dreg:$0x1]  }
0x3: {  	s9 =	rddreg [dreg:$0x2]  }
0x4: {  	s0 =	rddreg [dreg:$0x3];
	s5 =	srdreg.scid  }
0x5: {  	s4 =	simm.s32 $0x0;
	s3 =	stileid.u32;
	s11 =	simm.s32 $0x18700  }
0x6: {  	s12 =	simm.s32 $0x4;
	s13 =	simm.s32 $0x80;
	s14 =	simm.s32 $0x400  }
0x7: {  	s15 =	simm.s32 $0x1C700;
	s16 =	simm.s32 $0x1D700;
	s17 =	simm.s32 $0x1E700  }
0x8: {  	s18 =	simm.s32 $0x1;
	s19 =	simm.s32 $0x2;
	s20 =	simm.s32 $0x3  }
0x9: {  	s21 =	simm.s32 $0x0;
	s5 =	sand.u32 $0x1, s5;
	[smem:$0x7FF] =	sst s4  }
0xa: {  	s7 =	sshll.u32 s3, $0x1;
	s6 =	ssub.s32 $0x2, s5;
	_ =	strace $0x80000047  }
0xb: {  	s7 =	sor.u32 s5, s7;
	s5 =	sadd.s32 $0xA00, s9;
	s8 =	sshrl.u32 s6, $0x1  }
0xc: {  	s10 =	ssub.s32 s6, s8;
	s6 =	smul.u32 $0x1A, s7;
	s7 =	sadd.s32 $0x1A00, s9  }
0xd: {  	s8 =	sadd.s32 $0x2A00, s9;
	s9 =	sadd.s32 $0x3A00, s9;
	s10 =	smax.u32 s10, $0x1  }
.LBB2_1:
0xe: {  	s22 =	simm.s32 $0x0  }
.LBB2_2:
0xf: {  	s23 =	sadd.s32 s6, s22  }
0x10: {  	p0 =	seq.s32 s22, $0x0;
	s24 =	sand.u32 $0x1F, s23  }
0x11: {  	p1 =	sne.s32 @!p0 s24, $0x0;
	s24 =	sshrl.u32 s24, $0x3  }
0x12: {  	s25 =	sshrl.u32 s23, $0x5;
	p1 =	por p0, !p1;
	s24 =	smul.u32 $0xC3800, s24  }
0x13: {  	s26 =	sshll.u32 @p1 s25, $0xB;
	s25 =	smul.u32 $0x30E000, s25  }
0x14: {  	s30 =	sshll.u32 s23, $0x7;
	s26 =	sand.u32 @p1 $0x1FFFF800, s26  }
0x15: {  	s26 =	sadd.s32 @p1 s1, s26;
	s25 =	sadd.s32 s25, s24;
	s24 =	sand.u32 $0x380, s30  }
0x16: {  	[tilespmem:s11], [sflag:$0x4] =	stream.linear.gather @p1 [hbm4b:s26+s4], $0x4000, $0x38;
	[tilespmem:$0x1F700] =	vst v63  }
0x17: {  	s25 =	sor.u32 s24, s25;
	_ =	swait.ge @p1 [sflag:s12], $0x4000  }
0x18: {  	s25 =	sshrl.u32 s25, $0x3;
	[sflag:s12] =	ssyncset.done @p1 $0x0  }
0x19: {  	s25 =	sadd.s32 s2, s25;
	[sflag:s12] =	ssyncadd.s32 @p1 $0xFFFFC000  }
0x1a: {  	[tilespmem:s4], [sflag:$0x4] =	stream.strided.gather [hbm4b:s25+s13], $0x18700, s14, s13, $0x38;
	[tilespmem:$0x1F700] =	vst v63  }
0x1b: {  	_ =	swait.ge [sflag:s12], $0x18700  }
0x1c: {  	[sflag:s12] =	ssyncset.done $0x0  }
0x1d: {  	s25 =	simm.s32 @!p0 $0x1;
	[sflag:s12] =	ssyncadd.s32 $0xFFFE7900  }
0x1e: {  	_ =	swait.ge @!p0 [sflag:s25], $0x1000  }
0x1f: {  	[sflag:s25] =	ssyncset.done @!p0 $0x0  }
0x20: {  	s31 =	simm.s32 $0x18800;
	[sflag:s25] =	ssyncadd.s32 @!p0 $0xFFFFF000  }
0x21: {  	v0 =	vld [tilespmem:s31+$0xF0]  }
0x22: {  	v1 =	vld [tilespmem:s31+$0xFFFFFF10]  }
0x23: {  	v2 =	vld [tilespmem:s31+$0xFFFFFF20]  }
0x24: {  	v3 =	vld [tilespmem:s31+$0xFFFFFF30]  }
0x25: {  	v4 =	vld [tilespmem:s31+$0xFFFFFF40]  }
0x26: {  	v5 =	vld [tilespmem:s31+$0xFFFFFF50]  }
0x27: {  	v6 =	vld [tilespmem:s31+$0xFFFFFF60]  }
0x28: {  	v7 =	vld [tilespmem:s31+$0xFFFFFF70]  }
0x29: {  	v8 =	vld [tilespmem:s31+$0xFFFFFF80]  }
0x2a: {  	v9 =	vld [tilespmem:s31+$0xFFFFFF90]  }
0x2b: {  	v10 =	vld [tilespmem:s31+$0xFFFFFFA0]  }
0x2c: {  	v11 =	vld [tilespmem:s31+$0xFFFFFFB0]  }
0x2d: {  	v12 =	vld [tilespmem:s31+$0xFFFFFFC0]  }
0x2e: {  	v13 =	vld [tilespmem:s31+$0xFFFFFFD0]  }
0x2f: {  	v14 =	vld [tilespmem:s31+$0xFFFFFFE0]  }
0x30: {  	v15 =	vld [tilespmem:s31+$0xFFFFFFF0]  }
0x31: {  	v16 =	vld [tilespmem:s31+$0x0]  }
0x32: {  	v17 =	vld [tilespmem:s31+$0x10]  }
0x33: {  	v18 =	vld [tilespmem:s31+$0x20]  }
0x34: {  	v19 =	vld [tilespmem:s31+$0x30]  }
0x35: {  	v20 =	vld [tilespmem:s31+$0x40]  }
0x36: {  	v21 =	vld [tilespmem:s31+$0x50]  }
0x37: {  	v22 =	vld [tilespmem:s31+$0x60]  }
0x38: {  	v23 =	vld [tilespmem:s31+$0x70]  }
0x39: {  	v24 =	vld [tilespmem:s31+$0x80]  }
0x3a: {  	v25 =	vld [tilespmem:s31+$0x90]  }
0x3b: {  	v26 =	vld [tilespmem:s31+$0xA0]  }
0x3c: {  	v27 =	vld [tilespmem:s31+$0xB0]  }
0x3d: {  	v28 =	vld [tilespmem:s31+$0xC0]  }
0x3e: {  	v29 =	vld [tilespmem:s31+$0xD0]  }
0x3f: {  	v30 =	vld [tilespmem:s31+$0xE0]  }
0x40: {  	v31 =	vld [tilespmem:s31+$0xFFFFFF00]  }
0x41: {  	v0 =	vld.idx.msk [tilespmem:v0+s4+$0x0], $0xffff  }
0x42: {  	v1 =	vld.idx.msk [tilespmem:v1+s4+$0x0], $0xffff  }
0x43: {  	v2 =	vld.idx.msk [tilespmem:v2+s4+$0x0], $0xffff  }
0x44: {  	v3 =	vld.idx.msk [tilespmem:v3+s4+$0x0], $0xffff  }
0x45: {  	v4 =	vld.idx.msk [tilespmem:v4+s4+$0x0], $0xffff  }
0x46: {  	s25 =	simm.s32 $0x1C800;
	v5 =	vld.idx.msk [tilespmem:v5+s4+$0x0], $0xffff  }
0x47: {  	[tilespmem:s25+$0xF0] =	vst v0;
	v0 =	vld.idx.msk [tilespmem:v6+s4+$0x0], $0xffff  }
0x48: {  	[tilespmem:s25+$0xFFFFFF10] =	vst v1;
	v1 =	vld.idx.msk [tilespmem:v7+s4+$0x0], $0xffff  }
0x49: {  	v6 =	vld.idx.msk [tilespmem:v31+s4+$0x0], $0xffff;
	[tilespmem:s25+$0xFFFFFF20] =	vst v2  }
0x4a: {  	[tilespmem:s25+$0xFFFFFF30] =	vst v3;
	v2 =	vld.idx.msk [tilespmem:v8+s4+$0x0], $0xffff  }
0x4b: {  	[tilespmem:s25+$0xFFFFFF40] =	vst v4;
	v3 =	vld.idx.msk [tilespmem:v9+s4+$0x0], $0xffff  }
0x4c: {  	[tilespmem:s25+$0xFFFFFF50] =	vst v5;
	v4 =	vld.idx.msk [tilespmem:v10+s4+$0x0], $0xffff  }
0x4d: {  	v5 =	vld.idx.msk [tilespmem:v13+s4+$0x0], $0xffff;
	[tilespmem:s25+$0xFFFFFF60] =	vst v0  }
0x4e: {  	v7 =	vld.idx.msk [tilespmem:v24+s4+$0x0], $0xffff;
	[tilespmem:s25+$0xFFFFFF70] =	vst v1  }
0x4f: {  	v0 =	vld.idx.msk [tilespmem:v11+s4+$0x0], $0xffff;
	[tilespmem:s25+$0xFFFFFF00] =	vst v6  }
0x50: {  	v1 =	vld.idx.msk [tilespmem:v12+s4+$0x0], $0xffff;
	[tilespmem:s25+$0xFFFFFF80] =	vst v2  }
0x51: {  	v2 =	vld.idx.msk [tilespmem:v14+s4+$0x0], $0xffff;
	[tilespmem:s25+$0xFFFFFF90] =	vst v3  }
0x52: {  	v3 =	vld.idx.msk [tilespmem:v15+s4+$0x0], $0xffff;
	[tilespmem:s25+$0xFFFFFFA0] =	vst v4  }
0x53: {  	v4 =	vld.idx.msk [tilespmem:v16+s4+$0x0], $0xffff;
	[tilespmem:s25+$0xFFFFFFD0] =	vst v5  }
0x54: {  	v5 =	vld.idx.msk [tilespmem:v19+s4+$0x0], $0xffff;
	[tilespmem:s25+$0x80] =	vst v7  }
0x55: {  	v6 =	vld.idx.msk [tilespmem:v23+s4+$0x0], $0xffff;
	[tilespmem:s25+$0xFFFFFFB0] =	vst v0  }
0x56: {  	v0 =	vld.idx.msk [tilespmem:v17+s4+$0x0], $0xffff;
	[tilespmem:s25+$0xFFFFFFC0] =	vst v1  }
0x57: {  	v1 =	vld.idx.msk [tilespmem:v18+s4+$0x0], $0xffff;
	[tilespmem:s25+$0xFFFFFFE0] =	vst v2  }
0x58: {  	v2 =	vld.idx.msk [tilespmem:v20+s4+$0x0], $0xffff;
	[tilespmem:s25+$0xFFFFFFF0] =	vst v3  }
0x59: {  	v3 =	vld.idx.msk [tilespmem:v21+s4+$0x0], $0xffff;
	[tilespmem:s25+$0x0] =	vst v4  }
0x5a: {  	v4 =	vld.idx.msk [tilespmem:v22+s4+$0x0], $0xffff;
	[tilespmem:s25+$0x30] =	vst v5  }
0x5b: {  	[tilespmem:s25+$0x70] =	vst v6;
	v5 =	vld.idx.msk [tilespmem:v30+s4+$0x0], $0xffff  }
0x5c: {  	[tilespmem:s25+$0x10] =	vst v0;
	v0 =	vld.idx.msk [tilespmem:v25+s4+$0x0], $0xffff  }
0x5d: {  	[tilespmem:s25+$0x20] =	vst v1;
	v1 =	vld.idx.msk [tilespmem:v26+s4+$0x0], $0xffff  }
0x5e: {  	[tilespmem:s25+$0x40] =	vst v2;
	v2 =	vld.idx.msk [tilespmem:v27+s4+$0x0], $0xffff  }
0x5f: {  	[tilespmem:s25+$0x50] =	vst v3;
	v3 =	vld.idx.msk [tilespmem:v28+s4+$0x0], $0xffff  }
0x60: {  	s28 =	simm.s32 $0x18A00;
	s26 =	simm.s32 $0x0;
	[tilespmem:s25+$0x60] =	vst v4;
	v4 =	vld.idx.msk [tilespmem:v29+s4+$0x0], $0xffff  }
.LBB2_3:
0x61: {  	v6 =	vld [tilespmem:s28+$0xF0];
	s26 =	sadd.s32 $0x20, s26;
	[tilespmem:s25+$0x90] =	vst v0  }
0x62: {  	v0 =	vld [tilespmem:s28+$0xFFFFFF10];
	p1 =	slt.u32 s26, $0xE0;
	[tilespmem:s25+$0xA0] =	vst v1  }
0x63: {  	v1 =	vld [tilespmem:s28+$0xFFFFFF20];
	[tilespmem:s25+$0xB0] =	vst v2  }
0x64: {  	v2 =	vld [tilespmem:s28+$0xFFFFFF30];
	[tilespmem:s25+$0xC0] =	vst v3  }
0x65: {  	v3 =	vld [tilespmem:s28+$0xFFFFFF40];
	[tilespmem:s25+$0xD0] =	vst v4  }
0x66: {  	v4 =	vld [tilespmem:s28+$0xFFFFFF50];
	[tilespmem:s25+$0xE0] =	vst v5  }
0x67: {  	v5 =	vld [tilespmem:s28+$0xFFFFFF60]  }
0x68: {  	v7 =	vld [tilespmem:s28+$0xFFFFFF70]  }
0x69: {  	v6 =	vld.idx.msk [tilespmem:v6+s4+$0x0], $0xffff  }
0x6a: {  	v8 =	vld [tilespmem:s28+$0xFFFFFF80]  }
0x6b: {  	v9 =	vld [tilespmem:s28+$0xFFFFFF90]  }
0x6c: {  	v10 =	vld [tilespmem:s28+$0xFFFFFFA0]  }
0x6d: {  	v11 =	vld [tilespmem:s28+$0xFFFFFFB0]  }
0x6e: {  	s25 =	sadd.s32 $0x200, s25;
	v12 =	vld [tilespmem:s28+$0xFFFFFFC0]  }
0x6f: {  	v13 =	vld [tilespmem:s28+$0xFFFFFFD0];
	[tilespmem:s25+$0xF0] =	vst v6  }
0x70: {  	v6 =	vld [tilespmem:s28+$0xFFFFFFE0]  }
0x71: {  	v14 =	vld [tilespmem:s28+$0xFFFFFFF0]  }
0x72: {  	v15 =	vld [tilespmem:s28+$0x0]  }
0x73: {  	v16 =	vld [tilespmem:s28+$0x10]  }
0x74: {  	v17 =	vld [tilespmem:s28+$0x20]  }
0x75: {  	v18 =	vld [tilespmem:s28+$0x30]  }
0x76: {  	v19 =	vld [tilespmem:s28+$0x40]  }
0x77: {  	v20 =	vld [tilespmem:s28+$0x50]  }
0x78: {  	v21 =	vld [tilespmem:s28+$0x60]  }
0x79: {  	v22 =	vld [tilespmem:s28+$0x70]  }
0x7a: {  	v23 =	vld [tilespmem:s28+$0x80]  }
0x7b: {  	v24 =	vld [tilespmem:s28+$0x90]  }
0x7c: {  	v25 =	vld [tilespmem:s28+$0xA0]  }
0x7d: {  	v26 =	vld [tilespmem:s28+$0xB0]  }
0x7e: {  	v27 =	vld [tilespmem:s28+$0xC0]  }
0x7f: {  	v28 =	vld [tilespmem:s28+$0xD0]  }
0x80: {  	v29 =	vld [tilespmem:s28+$0xE0]  }
0x81: {  	v30 =	vld [tilespmem:s28+$0xFFFFFF00]  }
0x82: {  	v0 =	vld.idx.msk [tilespmem:v0+s4+$0x0], $0xffff  }
0x83: {  	v1 =	vld.idx.msk [tilespmem:v1+s4+$0x0], $0xffff  }
0x84: {  	v2 =	vld.idx.msk [tilespmem:v2+s4+$0x0], $0xffff  }
0x85: {  	v3 =	vld.idx.msk [tilespmem:v3+s4+$0x0], $0xffff  }
0x86: {  	v4 =	vld.idx.msk [tilespmem:v4+s4+$0x0], $0xffff  }
0x87: {  	v5 =	vld.idx.msk [tilespmem:v5+s4+$0x0], $0xffff  }
0x88: {  	[tilespmem:s25+$0xFFFFFF10] =	vst v0;
	v0 =	vld.idx.msk [tilespmem:v7+s4+$0x0], $0xffff  }
0x89: {  	v7 =	vld.idx.msk [tilespmem:v30+s4+$0x0], $0xffff;
	[tilespmem:s25+$0xFFFFFF20] =	vst v1  }
0x8a: {  	[tilespmem:s25+$0xFFFFFF30] =	vst v2;
	v1 =	vld.idx.msk [tilespmem:v8+s4+$0x0], $0xffff  }
0x8b: {  	[tilespmem:s25+$0xFFFFFF40] =	vst v3;
	v2 =	vld.idx.msk [tilespmem:v9+s4+$0x0], $0xffff  }
0x8c: {  	[tilespmem:s25+$0xFFFFFF50] =	vst v4;
	v3 =	vld.idx.msk [tilespmem:v10+s4+$0x0], $0xffff  }
0x8d: {  	[tilespmem:s25+$0xFFFFFF60] =	vst v5;
	v4 =	vld.idx.msk [tilespmem:v11+s4+$0x0], $0xffff  }
0x8e: {  	[tilespmem:s25+$0xFFFFFF70] =	vst v0;
	v0 =	vld.idx.msk [tilespmem:v12+s4+$0x0], $0xffff  }
0x8f: {  	[tilespmem:s25+$0xFFFFFF00] =	vst v7;
	v5 =	vld.idx.msk [tilespmem:v13+s4+$0x0], $0xffff  }
0x90: {  	[tilespmem:s25+$0xFFFFFF80] =	vst v1;
	v1 =	vld.idx.msk [tilespmem:v6+s4+$0x0], $0xffff  }
0x91: {  	[tilespmem:s25+$0xFFFFFF90] =	vst v2;
	v2 =	vld.idx.msk [tilespmem:v14+s4+$0x0], $0xffff  }
0x92: {  	[tilespmem:s25+$0xFFFFFFA0] =	vst v3;
	v3 =	vld.idx.msk [tilespmem:v15+s4+$0x0], $0xffff  }
0x93: {  	[tilespmem:s25+$0xFFFFFFB0] =	vst v4;
	v4 =	vld.idx.msk [tilespmem:v16+s4+$0x0], $0xffff  }
0x94: {  	[tilespmem:s25+$0xFFFFFFC0] =	vst v0;
	v0 =	vld.idx.msk [tilespmem:v17+s4+$0x0], $0xffff  }
0x95: {  	[tilespmem:s25+$0xFFFFFFD0] =	vst v5;
	v5 =	vld.idx.msk [tilespmem:v18+s4+$0x0], $0xffff  }
0x96: {  	[tilespmem:s25+$0xFFFFFFE0] =	vst v1;
	v1 =	vld.idx.msk [tilespmem:v19+s4+$0x0], $0xffff  }
0x97: {  	[tilespmem:s25+$0xFFFFFFF0] =	vst v2;
	v2 =	vld.idx.msk [tilespmem:v20+s4+$0x0], $0xffff  }
0x98: {  	[tilespmem:s25+$0x0] =	vst v3;
	v3 =	vld.idx.msk [tilespmem:v21+s4+$0x0], $0xffff  }
0x99: {  	[tilespmem:s25+$0x10] =	vst v4;
	v4 =	vld.idx.msk [tilespmem:v22+s4+$0x0], $0xffff  }
0x9a: {  	[tilespmem:s25+$0x20] =	vst v0;
	v6 =	vld.idx.msk [tilespmem:v23+s4+$0x0], $0xffff  }
0x9b: {  	[tilespmem:s25+$0x30] =	vst v5;
	v0 =	vld.idx.msk [tilespmem:v24+s4+$0x0], $0xffff  }
.Ltmp0:
0x9c: {  	[tilespmem:s25+$0x40] =	vst v1;
	v1 =	vld.idx.msk [tilespmem:v25+s4+$0x0], $0xffff;
	(pc) =	sbr.rel @p1 .LBB2_3-.Ltmp0, $4  }
0x9d: {  	[tilespmem:s25+$0x50] =	vst v2;
	v2 =	vld.idx.msk [tilespmem:v26+s4+$0x0], $0xffff  }
0x9e: {  	[tilespmem:s25+$0x60] =	vst v3;
	v3 =	vld.idx.msk [tilespmem:v27+s4+$0x0], $0xffff  }
0x9f: {  	[tilespmem:s25+$0x70] =	vst v4;
	v4 =	vld.idx.msk [tilespmem:v28+s4+$0x0], $0xffff  }
0xa0: {  	s28 =	sadd.s32 $0x200, s28;
	[tilespmem:s25+$0x80] =	vst v6;
	v5 =	vld.idx.msk [tilespmem:v29+s4+$0x0], $0xffff  }
0xa1: {  	[tilespmem:s25+$0x90] =	vst v0  }
0xa2: {  	[tilespmem:s25+$0xA0] =	vst v1;
	s23 =	sshll.u32 s23, $0xE  }
0xa3: {  	[tilespmem:s25+$0xB0] =	vst v2;
	s23 =	sand.u32 $0x7FFE0000, s23  }
0xa4: {  	[tilespmem:s25+$0xC0] =	vst v3;
	s23 =	sor.u32 s24, s23  }
0xa5: {  	[tilespmem:s25+$0xD0] =	vst v4;
	s23 =	sshrl.u32 s23, $0x3  }
0xa6: {  	s24 =	simm.s32 @!p0 $0x2;
	[tilespmem:s25+$0xE0] =	vst v5;
	s30 =	sadd.s32 s5, s23  }
0xa7: {  	[hbm4b:s30+s13] =	stream.strided.scatter [tilespmem:s15], [sflag:$0x1], $0x1000, s14, s13, $0x38;
	[tilespmem:$0x1F700] =	vst v63  }
0xa8: {  	_ =	swait.ge @!p0 [sflag:s24], $0x1000  }
0xa9: {  	[sflag:s24] =	ssyncset.done @!p0 $0x0  }
0xaa: {  	s31 =	simm.s32 $0x198F0;
	[sflag:s24] =	ssyncadd.s32 @!p0 $0xFFFFF000  }
0xab: {  	v0 =	vld [tilespmem:s31+$0x0]  }
0xac: {  	v1 =	vld [tilespmem:s31+$0xFFFFFE20]  }
0xad: {  	v2 =	vld [tilespmem:s31+$0xFFFFFE30]  }
0xae: {  	v3 =	vld [tilespmem:s31+$0xFFFFFE40]  }
0xaf: {  	v4 =	vld [tilespmem:s31+$0xFFFFFE50]  }
0xb0: {  	v5 =	vld [tilespmem:s31+$0xFFFFFE60]  }
0xb1: {  	v6 =	vld [tilespmem:s31+$0xFFFFFE70]  }
0xb2: {  	v7 =	vld [tilespmem:s31+$0xFFFFFE80]  }
0xb3: {  	v8 =	vld [tilespmem:s31+$0xFFFFFE90]  }
0xb4: {  	v9 =	vld [tilespmem:s31+$0xFFFFFEA0]  }
0xb5: {  	v10 =	vld [tilespmem:s31+$0xFFFFFEB0]  }
0xb6: {  	v11 =	vld [tilespmem:s31+$0xFFFFFEC0]  }
0xb7: {  	v12 =	vld [tilespmem:s31+$0xFFFFFED0]  }
0xb8: {  	v13 =	vld [tilespmem:s31+$0xFFFFFEE0]  }
0xb9: {  	v14 =	vld [tilespmem:s31+$0xFFFFFEF0]  }
0xba: {  	v15 =	vld [tilespmem:s31+$0xFFFFFF00]  }
0xbb: {  	v16 =	vld [tilespmem:s31+$0xFFFFFF10]  }
0xbc: {  	v17 =	vld [tilespmem:s31+$0xFFFFFF20]  }
0xbd: {  	v18 =	vld [tilespmem:s31+$0xFFFFFF30]  }
0xbe: {  	v19 =	vld [tilespmem:s31+$0xFFFFFF40]  }
0xbf: {  	v20 =	vld [tilespmem:s31+$0xFFFFFF50]  }
0xc0: {  	v21 =	vld [tilespmem:s31+$0xFFFFFF60]  }
0xc1: {  	v22 =	vld [tilespmem:s31+$0xFFFFFF70]  }
0xc2: {  	v23 =	vld [tilespmem:s31+$0xFFFFFF80]  }
0xc3: {  	v24 =	vld [tilespmem:s31+$0xFFFFFF90]  }
0xc4: {  	v25 =	vld [tilespmem:s31+$0xFFFFFFA0]  }
0xc5: {  	v26 =	vld [tilespmem:s31+$0xFFFFFFB0]  }
0xc6: {  	v27 =	vld [tilespmem:s31+$0xFFFFFFC0]  }
0xc7: {  	v28 =	vld [tilespmem:s31+$0xFFFFFFD0]  }
0xc8: {  	v29 =	vld [tilespmem:s31+$0xFFFFFFE0]  }
0xc9: {  	v30 =	vld [tilespmem:s31+$0xFFFFFFF0]  }
0xca: {  	v31 =	vld [tilespmem:s31+$0xFFFFFE10]  }
0xcb: {  	v0 =	vld.idx.msk [tilespmem:v0+s4+$0x0], $0xffff  }
0xcc: {  	v1 =	vld.idx.msk [tilespmem:v1+s4+$0x0], $0xffff  }
0xcd: {  	v2 =	vld.idx.msk [tilespmem:v2+s4+$0x0], $0xffff  }
0xce: {  	v3 =	vld.idx.msk [tilespmem:v3+s4+$0x0], $0xffff  }
0xcf: {  	v4 =	vld.idx.msk [tilespmem:v4+s4+$0x0], $0xffff  }
0xd0: {  	s24 =	simm.s32 $0x1D8F0;
	v5 =	vld.idx.msk [tilespmem:v5+s4+$0x0], $0xffff  }
0xd1: {  	[tilespmem:s24+$0x0] =	vst v0;
	v0 =	vld.idx.msk [tilespmem:v6+s4+$0x0], $0xffff  }
0xd2: {  	[tilespmem:s24+$0xFFFFFE20] =	vst v1;
	v1 =	vld.idx.msk [tilespmem:v7+s4+$0x0], $0xffff  }
0xd3: {  	v6 =	vld.idx.msk [tilespmem:v31+s4+$0x0], $0xffff;
	[tilespmem:s24+$0xFFFFFE30] =	vst v2  }
0xd4: {  	[tilespmem:s24+$0xFFFFFE40] =	vst v3;
	v2 =	vld.idx.msk [tilespmem:v8+s4+$0x0], $0xffff  }
0xd5: {  	[tilespmem:s24+$0xFFFFFE50] =	vst v4;
	v3 =	vld.idx.msk [tilespmem:v9+s4+$0x0], $0xffff  }
0xd6: {  	[tilespmem:s24+$0xFFFFFE60] =	vst v5;
	v4 =	vld.idx.msk [tilespmem:v10+s4+$0x0], $0xffff  }
0xd7: {  	v5 =	vld.idx.msk [tilespmem:v13+s4+$0x0], $0xffff;
	[tilespmem:s24+$0xFFFFFE70] =	vst v0  }
0xd8: {  	v7 =	vld.idx.msk [tilespmem:v24+s4+$0x0], $0xffff;
	[tilespmem:s24+$0xFFFFFE80] =	vst v1  }
0xd9: {  	v0 =	vld.idx.msk [tilespmem:v11+s4+$0x0], $0xffff;
	[tilespmem:s24+$0xFFFFFE10] =	vst v6  }
0xda: {  	v1 =	vld.idx.msk [tilespmem:v12+s4+$0x0], $0xffff;
	[tilespmem:s24+$0xFFFFFE90] =	vst v2  }
0xdb: {  	v2 =	vld.idx.msk [tilespmem:v14+s4+$0x0], $0xffff;
	[tilespmem:s24+$0xFFFFFEA0] =	vst v3  }
0xdc: {  	v3 =	vld.idx.msk [tilespmem:v15+s4+$0x0], $0xffff;
	[tilespmem:s24+$0xFFFFFEB0] =	vst v4  }
0xdd: {  	v4 =	vld.idx.msk [tilespmem:v16+s4+$0x0], $0xffff;
	[tilespmem:s24+$0xFFFFFEE0] =	vst v5  }
0xde: {  	v5 =	vld.idx.msk [tilespmem:v19+s4+$0x0], $0xffff;
	[tilespmem:s24+$0xFFFFFF90] =	vst v7  }
0xdf: {  	v6 =	vld.idx.msk [tilespmem:v23+s4+$0x0], $0xffff;
	[tilespmem:s24+$0xFFFFFEC0] =	vst v0  }
0xe0: {  	v0 =	vld.idx.msk [tilespmem:v17+s4+$0x0], $0xffff;
	[tilespmem:s24+$0xFFFFFED0] =	vst v1  }
0xe1: {  	v1 =	vld.idx.msk [tilespmem:v18+s4+$0x0], $0xffff;
	[tilespmem:s24+$0xFFFFFEF0] =	vst v2  }
0xe2: {  	v2 =	vld.idx.msk [tilespmem:v20+s4+$0x0], $0xffff;
	[tilespmem:s24+$0xFFFFFF00] =	vst v3  }
0xe3: {  	v3 =	vld.idx.msk [tilespmem:v21+s4+$0x0], $0xffff;
	[tilespmem:s24+$0xFFFFFF10] =	vst v4  }
0xe4: {  	v4 =	vld.idx.msk [tilespmem:v22+s4+$0x0], $0xffff;
	[tilespmem:s24+$0xFFFFFF40] =	vst v5  }
0xe5: {  	[tilespmem:s24+$0xFFFFFF80] =	vst v6;
	v5 =	vld.idx.msk [tilespmem:v30+s4+$0x0], $0xffff  }
0xe6: {  	[tilespmem:s24+$0xFFFFFF20] =	vst v0;
	v0 =	vld.idx.msk [tilespmem:v25+s4+$0x0], $0xffff  }
0xe7: {  	[tilespmem:s24+$0xFFFFFF30] =	vst v1;
	v1 =	vld.idx.msk [tilespmem:v26+s4+$0x0], $0xffff  }
0xe8: {  	[tilespmem:s24+$0xFFFFFF50] =	vst v2;
	v2 =	vld.idx.msk [tilespmem:v27+s4+$0x0], $0xffff  }
0xe9: {  	[tilespmem:s24+$0xFFFFFF60] =	vst v3;
	v3 =	vld.idx.msk [tilespmem:v28+s4+$0x0], $0xffff  }
0xea: {  	s26 =	simm.s32 $0x19AF0;
	s25 =	simm.s32 $0x0;
	[tilespmem:s24+$0xFFFFFF70] =	vst v4;
	v4 =	vld.idx.msk [tilespmem:v29+s4+$0x0], $0xffff  }
.LBB2_5:
0xeb: {  	v6 =	vld [tilespmem:s26+$0x0];
	s25 =	sadd.s32 $0x20, s25;
	[tilespmem:s24+$0xFFFFFFA0] =	vst v0  }
0xec: {  	v0 =	vld [tilespmem:s26+$0xFFFFFE20];
	p1 =	slt.u32 s25, $0xE0;
	[tilespmem:s24+$0xFFFFFFB0] =	vst v1  }
0xed: {  	v1 =	vld [tilespmem:s26+$0xFFFFFE30];
	[tilespmem:s24+$0xFFFFFFC0] =	vst v2  }
0xee: {  	v2 =	vld [tilespmem:s26+$0xFFFFFE40];
	[tilespmem:s24+$0xFFFFFFD0] =	vst v3  }
0xef: {  	v3 =	vld [tilespmem:s26+$0xFFFFFE50];
	[tilespmem:s24+$0xFFFFFFE0] =	vst v4  }
0xf0: {  	v4 =	vld [tilespmem:s26+$0xFFFFFE60];
	[tilespmem:s24+$0xFFFFFFF0] =	vst v5  }
0xf1: {  	v5 =	vld [tilespmem:s26+$0xFFFFFE70]  }
0xf2: {  	v7 =	vld [tilespmem:s26+$0xFFFFFE80]  }
0xf3: {  	v6 =	vld.idx.msk [tilespmem:v6+s4+$0x0], $0xffff  }
0xf4: {  	v8 =	vld [tilespmem:s26+$0xFFFFFE90]  }
0xf5: {  	v9 =	vld [tilespmem:s26+$0xFFFFFEA0]  }
0xf6: {  	v10 =	vld [tilespmem:s26+$0xFFFFFEB0]  }
0xf7: {  	v11 =	vld [tilespmem:s26+$0xFFFFFEC0]  }
0xf8: {  	s24 =	sadd.s32 $0x200, s24;
	v12 =	vld [tilespmem:s26+$0xFFFFFED0]  }
0xf9: {  	v13 =	vld [tilespmem:s26+$0xFFFFFEE0];
	[tilespmem:s24+$0x0] =	vst v6  }
0xfa: {  	v6 =	vld [tilespmem:s26+$0xFFFFFEF0]  }
0xfb: {  	v14 =	vld [tilespmem:s26+$0xFFFFFF00]  }
0xfc: {  	v15 =	vld [tilespmem:s26+$0xFFFFFF10]  }
0xfd: {  	v16 =	vld [tilespmem:s26+$0xFFFFFF20]  }
0xfe: {  	v17 =	vld [tilespmem:s26+$0xFFFFFF30]  }
0xff: {  	v18 =	vld [tilespmem:s26+$0xFFFFFF40]  }
0x100: {  	v19 =	vld [tilespmem:s26+$0xFFFFFF50]  }
0x101: {  	v20 =	vld [tilespmem:s26+$0xFFFFFF60]  }
0x102: {  	v21 =	vld [tilespmem:s26+$0xFFFFFF70]  }
0x103: {  	v22 =	vld [tilespmem:s26+$0xFFFFFF80]  }
0x104: {  	v23 =	vld [tilespmem:s26+$0xFFFFFF90]  }
0x105: {  	v24 =	vld [tilespmem:s26+$0xFFFFFFA0]  }
0x106: {  	v25 =	vld [tilespmem:s26+$0xFFFFFFB0]  }
0x107: {  	v26 =	vld [tilespmem:s26+$0xFFFFFFC0]  }
0x108: {  	v27 =	vld [tilespmem:s26+$0xFFFFFFD0]  }
0x109: {  	v28 =	vld [tilespmem:s26+$0xFFFFFFE0]  }
0x10a: {  	v29 =	vld [tilespmem:s26+$0xFFFFFFF0]  }
0x10b: {  	v30 =	vld [tilespmem:s26+$0xFFFFFE10]  }
0x10c: {  	v0 =	vld.idx.msk [tilespmem:v0+s4+$0x0], $0xffff  }
0x10d: {  	v1 =	vld.idx.msk [tilespmem:v1+s4+$0x0], $0xffff  }
0x10e: {  	v2 =	vld.idx.msk [tilespmem:v2+s4+$0x0], $0xffff  }
0x10f: {  	v3 =	vld.idx.msk [tilespmem:v3+s4+$0x0], $0xffff  }
0x110: {  	v4 =	vld.idx.msk [tilespmem:v4+s4+$0x0], $0xffff  }
0x111: {  	v5 =	vld.idx.msk [tilespmem:v5+s4+$0x0], $0xffff  }
0x112: {  	[tilespmem:s24+$0xFFFFFE20] =	vst v0;
	v0 =	vld.idx.msk [tilespmem:v7+s4+$0x0], $0xffff  }
0x113: {  	v7 =	vld.idx.msk [tilespmem:v30+s4+$0x0], $0xffff;
	[tilespmem:s24+$0xFFFFFE30] =	vst v1  }
0x114: {  	[tilespmem:s24+$0xFFFFFE40] =	vst v2;
	v1 =	vld.idx.msk [tilespmem:v8+s4+$0x0], $0xffff  }
0x115: {  	[tilespmem:s24+$0xFFFFFE50] =	vst v3;
	v2 =	vld.idx.msk [tilespmem:v9+s4+$0x0], $0xffff  }
0x116: {  	[tilespmem:s24+$0xFFFFFE60] =	vst v4;
	v3 =	vld.idx.msk [tilespmem:v10+s4+$0x0], $0xffff  }
0x117: {  	[tilespmem:s24+$0xFFFFFE70] =	vst v5;
	v4 =	vld.idx.msk [tilespmem:v11+s4+$0x0], $0xffff  }
0x118: {  	[tilespmem:s24+$0xFFFFFE80] =	vst v0;
	v0 =	vld.idx.msk [tilespmem:v12+s4+$0x0], $0xffff  }
0x119: {  	[tilespmem:s24+$0xFFFFFE10] =	vst v7;
	v5 =	vld.idx.msk [tilespmem:v13+s4+$0x0], $0xffff  }
0x11a: {  	[tilespmem:s24+$0xFFFFFE90] =	vst v1;
	v1 =	vld.idx.msk [tilespmem:v6+s4+$0x0], $0xffff  }
0x11b: {  	[tilespmem:s24+$0xFFFFFEA0] =	vst v2;
	v2 =	vld.idx.msk [tilespmem:v14+s4+$0x0], $0xffff  }
0x11c: {  	[tilespmem:s24+$0xFFFFFEB0] =	vst v3;
	v3 =	vld.idx.msk [tilespmem:v15+s4+$0x0], $0xffff  }
0x11d: {  	[tilespmem:s24+$0xFFFFFEC0] =	vst v4;
	v4 =	vld.idx.msk [tilespmem:v16+s4+$0x0], $0xffff  }
0x11e: {  	[tilespmem:s24+$0xFFFFFED0] =	vst v0;
	v0 =	vld.idx.msk [tilespmem:v17+s4+$0x0], $0xffff  }
0x11f: {  	[tilespmem:s24+$0xFFFFFEE0] =	vst v5;
	v5 =	vld.idx.msk [tilespmem:v18+s4+$0x0], $0xffff  }
0x120: {  	[tilespmem:s24+$0xFFFFFEF0] =	vst v1;
	v1 =	vld.idx.msk [tilespmem:v19+s4+$0x0], $0xffff  }
0x121: {  	[tilespmem:s24+$0xFFFFFF00] =	vst v2;
	v2 =	vld.idx.msk [tilespmem:v20+s4+$0x0], $0xffff  }
0x122: {  	[tilespmem:s24+$0xFFFFFF10] =	vst v3;
	v3 =	vld.idx.msk [tilespmem:v21+s4+$0x0], $0xffff  }
0x123: {  	[tilespmem:s24+$0xFFFFFF20] =	vst v4;
	v4 =	vld.idx.msk [tilespmem:v22+s4+$0x0], $0xffff  }
0x124: {  	[tilespmem:s24+$0xFFFFFF30] =	vst v0;
	v6 =	vld.idx.msk [tilespmem:v23+s4+$0x0], $0xffff  }
0x125: {  	[tilespmem:s24+$0xFFFFFF40] =	vst v5;
	v0 =	vld.idx.msk [tilespmem:v24+s4+$0x0], $0xffff  }
.Ltmp1:
0x126: {  	[tilespmem:s24+$0xFFFFFF50] =	vst v1;
	v1 =	vld.idx.msk [tilespmem:v25+s4+$0x0], $0xffff;
	(pc) =	sbr.rel @p1 .LBB2_5-.Ltmp1, $4  }
0x127: {  	[tilespmem:s24+$0xFFFFFF60] =	vst v2;
	v2 =	vld.idx.msk [tilespmem:v26+s4+$0x0], $0xffff  }
0x128: {  	[tilespmem:s24+$0xFFFFFF70] =	vst v3;
	v3 =	vld.idx.msk [tilespmem:v27+s4+$0x0], $0xffff  }
0x129: {  	[tilespmem:s24+$0xFFFFFF80] =	vst v4;
	v4 =	vld.idx.msk [tilespmem:v28+s4+$0x0], $0xffff  }
0x12a: {  	s26 =	sadd.s32 $0x200, s26;
	[tilespmem:s24+$0xFFFFFF90] =	vst v6;
	v5 =	vld.idx.msk [tilespmem:v29+s4+$0x0], $0xffff  }
0x12b: {  	[tilespmem:s24+$0xFFFFFFA0] =	vst v0  }
0x12c: {  	[tilespmem:s24+$0xFFFFFFB0] =	vst v1  }
0x12d: {  	[tilespmem:s24+$0xFFFFFFC0] =	vst v2  }
0x12e: {  	[tilespmem:s24+$0xFFFFFFD0] =	vst v3  }
0x12f: {  	[tilespmem:s24+$0xFFFFFFE0] =	vst v4  }
0x130: {  	s30 =	sadd.s32 s23, s7;
	[tilespmem:s24+$0xFFFFFFF0] =	vst v5;
	s24 =	simm.s32 @!p0 $0x3  }
0x131: {  	[hbm4b:s30+s13] =	stream.strided.scatter [tilespmem:s16], [sflag:$0x2], $0x1000, s14, s13, $0x38;
	[tilespmem:$0x1F700] =	vst v63  }
0x132: {  	_ =	swait.ge @!p0 [sflag:s24], $0x1000  }
0x133: {  	[sflag:s24] =	ssyncset.done @!p0 $0x0  }
0x134: {  	s31 =	simm.s32 $0x1A8F0;
	[sflag:s24] =	ssyncadd.s32 @!p0 $0xFFFFF000  }
0x135: {  	v0 =	vld [tilespmem:s31+$0x0]  }
0x136: {  	v1 =	vld [tilespmem:s31+$0xFFFFFE20]  }
0x137: {  	v2 =	vld [tilespmem:s31+$0xFFFFFE30]  }
0x138: {  	v3 =	vld [tilespmem:s31+$0xFFFFFE40]  }
0x139: {  	v4 =	vld [tilespmem:s31+$0xFFFFFE50]  }
0x13a: {  	v5 =	vld [tilespmem:s31+$0xFFFFFE60]  }
0x13b: {  	v6 =	vld [tilespmem:s31+$0xFFFFFE70]  }
0x13c: {  	v7 =	vld [tilespmem:s31+$0xFFFFFE80]  }
0x13d: {  	v8 =	vld [tilespmem:s31+$0xFFFFFE90]  }
0x13e: {  	v9 =	vld [tilespmem:s31+$0xFFFFFEA0]  }
0x13f: {  	v10 =	vld [tilespmem:s31+$0xFFFFFEB0]  }
0x140: {  	v11 =	vld [tilespmem:s31+$0xFFFFFEC0]  }
0x141: {  	v12 =	vld [tilespmem:s31+$0xFFFFFED0]  }
0x142: {  	v13 =	vld [tilespmem:s31+$0xFFFFFEE0]  }
0x143: {  	v14 =	vld [tilespmem:s31+$0xFFFFFEF0]  }
0x144: {  	v15 =	vld [tilespmem:s31+$0xFFFFFF00]  }
0x145: {  	v16 =	vld [tilespmem:s31+$0xFFFFFF10]  }
0x146: {  	v17 =	vld [tilespmem:s31+$0xFFFFFF20]  }
0x147: {  	v18 =	vld [tilespmem:s31+$0xFFFFFF30]  }
0x148: {  	v19 =	vld [tilespmem:s31+$0xFFFFFF40]  }
0x149: {  	v20 =	vld [tilespmem:s31+$0xFFFFFF50]  }
0x14a: {  	v21 =	vld [tilespmem:s31+$0xFFFFFF60]  }
0x14b: {  	v22 =	vld [tilespmem:s31+$0xFFFFFF70]  }
0x14c: {  	v23 =	vld [tilespmem:s31+$0xFFFFFF80]  }
0x14d: {  	v24 =	vld [tilespmem:s31+$0xFFFFFF90]  }
0x14e: {  	v25 =	vld [tilespmem:s31+$0xFFFFFFA0]  }
0x14f: {  	v26 =	vld [tilespmem:s31+$0xFFFFFFB0]  }
0x150: {  	v27 =	vld [tilespmem:s31+$0xFFFFFFC0]  }
0x151: {  	v28 =	vld [tilespmem:s31+$0xFFFFFFD0]  }
0x152: {  	v29 =	vld [tilespmem:s31+$0xFFFFFFE0]  }
0x153: {  	v30 =	vld [tilespmem:s31+$0xFFFFFFF0]  }
0x154: {  	v31 =	vld [tilespmem:s31+$0xFFFFFE10]  }
0x155: {  	v0 =	vld.idx.msk [tilespmem:v0+s4+$0x0], $0xffff  }
0x156: {  	v1 =	vld.idx.msk [tilespmem:v1+s4+$0x0], $0xffff  }
0x157: {  	v2 =	vld.idx.msk [tilespmem:v2+s4+$0x0], $0xffff  }
0x158: {  	v3 =	vld.idx.msk [tilespmem:v3+s4+$0x0], $0xffff  }
0x159: {  	v4 =	vld.idx.msk [tilespmem:v4+s4+$0x0], $0xffff  }
0x15a: {  	s24 =	simm.s32 $0x1E8F0;
	v5 =	vld.idx.msk [tilespmem:v5+s4+$0x0], $0xffff  }
0x15b: {  	[tilespmem:s24+$0x0] =	vst v0;
	v0 =	vld.idx.msk [tilespmem:v6+s4+$0x0], $0xffff  }
0x15c: {  	[tilespmem:s24+$0xFFFFFE20] =	vst v1;
	v1 =	vld.idx.msk [tilespmem:v7+s4+$0x0], $0xffff  }
0x15d: {  	v6 =	vld.idx.msk [tilespmem:v31+s4+$0x0], $0xffff;
	[tilespmem:s24+$0xFFFFFE30] =	vst v2  }
0x15e: {  	[tilespmem:s24+$0xFFFFFE40] =	vst v3;
	v2 =	vld.idx.msk [tilespmem:v8+s4+$0x0], $0xffff  }
0x15f: {  	[tilespmem:s24+$0xFFFFFE50] =	vst v4;
	v3 =	vld.idx.msk [tilespmem:v9+s4+$0x0], $0xffff  }
0x160: {  	[tilespmem:s24+$0xFFFFFE60] =	vst v5;
	v4 =	vld.idx.msk [tilespmem:v10+s4+$0x0], $0xffff  }
0x161: {  	v5 =	vld.idx.msk [tilespmem:v13+s4+$0x0], $0xffff;
	[tilespmem:s24+$0xFFFFFE70] =	vst v0  }
0x162: {  	v7 =	vld.idx.msk [tilespmem:v24+s4+$0x0], $0xffff;
	[tilespmem:s24+$0xFFFFFE80] =	vst v1  }
0x163: {  	v0 =	vld.idx.msk [tilespmem:v11+s4+$0x0], $0xffff;
	[tilespmem:s24+$0xFFFFFE10] =	vst v6  }
0x164: {  	v1 =	vld.idx.msk [tilespmem:v12+s4+$0x0], $0xffff;
	[tilespmem:s24+$0xFFFFFE90] =	vst v2  }
0x165: {  	v2 =	vld.idx.msk [tilespmem:v14+s4+$0x0], $0xffff;
	[tilespmem:s24+$0xFFFFFEA0] =	vst v3  }
0x166: {  	v3 =	vld.idx.msk [tilespmem:v15+s4+$0x0], $0xffff;
	[tilespmem:s24+$0xFFFFFEB0] =	vst v4  }
0x167: {  	v4 =	vld.idx.msk [tilespmem:v16+s4+$0x0], $0xffff;
	[tilespmem:s24+$0xFFFFFEE0] =	vst v5  }
0x168: {  	v5 =	vld.idx.msk [tilespmem:v19+s4+$0x0], $0xffff;
	[tilespmem:s24+$0xFFFFFF90] =	vst v7  }
0x169: {  	v6 =	vld.idx.msk [tilespmem:v23+s4+$0x0], $0xffff;
	[tilespmem:s24+$0xFFFFFEC0] =	vst v0  }
0x16a: {  	v0 =	vld.idx.msk [tilespmem:v17+s4+$0x0], $0xffff;
	[tilespmem:s24+$0xFFFFFED0] =	vst v1  }
0x16b: {  	v1 =	vld.idx.msk [tilespmem:v18+s4+$0x0], $0xffff;
	[tilespmem:s24+$0xFFFFFEF0] =	vst v2  }
0x16c: {  	v2 =	vld.idx.msk [tilespmem:v20+s4+$0x0], $0xffff;
	[tilespmem:s24+$0xFFFFFF00] =	vst v3  }
0x16d: {  	v3 =	vld.idx.msk [tilespmem:v21+s4+$0x0], $0xffff;
	[tilespmem:s24+$0xFFFFFF10] =	vst v4  }
0x16e: {  	v4 =	vld.idx.msk [tilespmem:v22+s4+$0x0], $0xffff;
	[tilespmem:s24+$0xFFFFFF40] =	vst v5  }
0x16f: {  	[tilespmem:s24+$0xFFFFFF80] =	vst v6;
	v5 =	vld.idx.msk [tilespmem:v30+s4+$0x0], $0xffff  }
0x170: {  	[tilespmem:s24+$0xFFFFFF20] =	vst v0;
	v0 =	vld.idx.msk [tilespmem:v25+s4+$0x0], $0xffff  }
0x171: {  	[tilespmem:s24+$0xFFFFFF30] =	vst v1;
	v1 =	vld.idx.msk [tilespmem:v26+s4+$0x0], $0xffff  }
0x172: {  	[tilespmem:s24+$0xFFFFFF50] =	vst v2;
	v2 =	vld.idx.msk [tilespmem:v27+s4+$0x0], $0xffff  }
0x173: {  	[tilespmem:s24+$0xFFFFFF60] =	vst v3;
	v3 =	vld.idx.msk [tilespmem:v28+s4+$0x0], $0xffff  }
0x174: {  	s25 =	simm.s32 $0x0;
	s26 =	simm.s32 $0x1AAF0;
	[tilespmem:s24+$0xFFFFFF70] =	vst v4;
	v4 =	vld.idx.msk [tilespmem:v29+s4+$0x0], $0xffff  }
.LBB2_7:
0x175: {  	v6 =	vld [tilespmem:s26+$0x0];
	s25 =	sadd.s32 $0x20, s25;
	[tilespmem:s24+$0xFFFFFFA0] =	vst v0  }
0x176: {  	v0 =	vld [tilespmem:s26+$0xFFFFFE20];
	p0 =	slt.u32 s25, $0xE0;
	[tilespmem:s24+$0xFFFFFFB0] =	vst v1  }
0x177: {  	v1 =	vld [tilespmem:s26+$0xFFFFFE30];
	[tilespmem:s24+$0xFFFFFFC0] =	vst v2  }
0x178: {  	v2 =	vld [tilespmem:s26+$0xFFFFFE40];
	[tilespmem:s24+$0xFFFFFFD0] =	vst v3  }
0x179: {  	v3 =	vld [tilespmem:s26+$0xFFFFFE50];
	[tilespmem:s24+$0xFFFFFFE0] =	vst v4  }
0x17a: {  	v4 =	vld [tilespmem:s26+$0xFFFFFE60];
	[tilespmem:s24+$0xFFFFFFF0] =	vst v5  }
0x17b: {  	v5 =	vld [tilespmem:s26+$0xFFFFFE70]  }
0x17c: {  	v7 =	vld [tilespmem:s26+$0xFFFFFE80]  }
0x17d: {  	v6 =	vld.idx.msk [tilespmem:v6+s4+$0x0], $0xffff  }
0x17e: {  	v8 =	vld [tilespmem:s26+$0xFFFFFE90]  }
0x17f: {  	v9 =	vld [tilespmem:s26+$0xFFFFFEA0]  }
0x180: {  	v10 =	vld [tilespmem:s26+$0xFFFFFEB0]  }
0x181: {  	v11 =	vld [tilespmem:s26+$0xFFFFFEC0]  }
0x182: {  	s24 =	sadd.s32 $0x200, s24;
	v12 =	vld [tilespmem:s26+$0xFFFFFED0]  }
0x183: {  	v13 =	vld [tilespmem:s26+$0xFFFFFEE0];
	[tilespmem:s24+$0x0] =	vst v6  }
0x184: {  	v6 =	vld [tilespmem:s26+$0xFFFFFEF0]  }
0x185: {  	v14 =	vld [tilespmem:s26+$0xFFFFFF00]  }
0x186: {  	v15 =	vld [tilespmem:s26+$0xFFFFFF10]  }
0x187: {  	v16 =	vld [tilespmem:s26+$0xFFFFFF20]  }
0x188: {  	v17 =	vld [tilespmem:s26+$0xFFFFFF30]  }
0x189: {  	v18 =	vld [tilespmem:s26+$0xFFFFFF40]  }
0x18a: {  	v19 =	vld [tilespmem:s26+$0xFFFFFF50]  }
0x18b: {  	v20 =	vld [tilespmem:s26+$0xFFFFFF60]  }
0x18c: {  	v21 =	vld [tilespmem:s26+$0xFFFFFF70]  }
0x18d: {  	v22 =	vld [tilespmem:s26+$0xFFFFFF80]  }
0x18e: {  	v23 =	vld [tilespmem:s26+$0xFFFFFF90]  }
0x18f: {  	v24 =	vld [tilespmem:s26+$0xFFFFFFA0]  }
0x190: {  	v25 =	vld [tilespmem:s26+$0xFFFFFFB0]  }
0x191: {  	v26 =	vld [tilespmem:s26+$0xFFFFFFC0]  }
0x192: {  	v27 =	vld [tilespmem:s26+$0xFFFFFFD0]  }
0x193: {  	v28 =	vld [tilespmem:s26+$0xFFFFFFE0]  }
0x194: {  	v29 =	vld [tilespmem:s26+$0xFFFFFFF0]  }
0x195: {  	v30 =	vld [tilespmem:s26+$0xFFFFFE10]  }
0x196: {  	v0 =	vld.idx.msk [tilespmem:v0+s4+$0x0], $0xffff  }
0x197: {  	v1 =	vld.idx.msk [tilespmem:v1+s4+$0x0], $0xffff  }
0x198: {  	v2 =	vld.idx.msk [tilespmem:v2+s4+$0x0], $0xffff  }
0x199: {  	v3 =	vld.idx.msk [tilespmem:v3+s4+$0x0], $0xffff  }
0x19a: {  	v4 =	vld.idx.msk [tilespmem:v4+s4+$0x0], $0xffff  }
0x19b: {  	v5 =	vld.idx.msk [tilespmem:v5+s4+$0x0], $0xffff  }
0x19c: {  	[tilespmem:s24+$0xFFFFFE20] =	vst v0;
	v0 =	vld.idx.msk [tilespmem:v7+s4+$0x0], $0xffff  }
0x19d: {  	v7 =	vld.idx.msk [tilespmem:v30+s4+$0x0], $0xffff;
	[tilespmem:s24+$0xFFFFFE30] =	vst v1  }
0x19e: {  	[tilespmem:s24+$0xFFFFFE40] =	vst v2;
	v1 =	vld.idx.msk [tilespmem:v8+s4+$0x0], $0xffff  }
0x19f: {  	[tilespmem:s24+$0xFFFFFE50] =	vst v3;
	v2 =	vld.idx.msk [tilespmem:v9+s4+$0x0], $0xffff  }
0x1a0: {  	[tilespmem:s24+$0xFFFFFE60] =	vst v4;
	v3 =	vld.idx.msk [tilespmem:v10+s4+$0x0], $0xffff  }
0x1a1: {  	[tilespmem:s24+$0xFFFFFE70] =	vst v5;
	v4 =	vld.idx.msk [tilespmem:v11+s4+$0x0], $0xffff  }
0x1a2: {  	[tilespmem:s24+$0xFFFFFE80] =	vst v0;
	v0 =	vld.idx.msk [tilespmem:v12+s4+$0x0], $0xffff  }
0x1a3: {  	[tilespmem:s24+$0xFFFFFE10] =	vst v7;
	v5 =	vld.idx.msk [tilespmem:v13+s4+$0x0], $0xffff  }
0x1a4: {  	[tilespmem:s24+$0xFFFFFE90] =	vst v1;
	v1 =	vld.idx.msk [tilespmem:v6+s4+$0x0], $0xffff  }
0x1a5: {  	[tilespmem:s24+$0xFFFFFEA0] =	vst v2;
	v2 =	vld.idx.msk [tilespmem:v14+s4+$0x0], $0xffff  }
0x1a6: {  	[tilespmem:s24+$0xFFFFFEB0] =	vst v3;
	v3 =	vld.idx.msk [tilespmem:v15+s4+$0x0], $0xffff  }
0x1a7: {  	[tilespmem:s24+$0xFFFFFEC0] =	vst v4;
	v4 =	vld.idx.msk [tilespmem:v16+s4+$0x0], $0xffff  }
0x1a8: {  	[tilespmem:s24+$0xFFFFFED0] =	vst v0;
	v0 =	vld.idx.msk [tilespmem:v17+s4+$0x0], $0xffff  }
0x1a9: {  	[tilespmem:s24+$0xFFFFFEE0] =	vst v5;
	v5 =	vld.idx.msk [tilespmem:v18+s4+$0x0], $0xffff  }
0x1aa: {  	[tilespmem:s24+$0xFFFFFEF0] =	vst v1;
	v1 =	vld.idx.msk [tilespmem:v19+s4+$0x0], $0xffff  }
0x1ab: {  	[tilespmem:s24+$0xFFFFFF00] =	vst v2;
	v2 =	vld.idx.msk [tilespmem:v20+s4+$0x0], $0xffff  }
0x1ac: {  	[tilespmem:s24+$0xFFFFFF10] =	vst v3;
	v3 =	vld.idx.msk [tilespmem:v21+s4+$0x0], $0xffff  }
0x1ad: {  	[tilespmem:s24+$0xFFFFFF20] =	vst v4;
	v4 =	vld.idx.msk [tilespmem:v22+s4+$0x0], $0xffff  }
0x1ae: {  	[tilespmem:s24+$0xFFFFFF30] =	vst v0;
	v6 =	vld.idx.msk [tilespmem:v23+s4+$0x0], $0xffff  }
0x1af: {  	[tilespmem:s24+$0xFFFFFF40] =	vst v5;
	v0 =	vld.idx.msk [tilespmem:v24+s4+$0x0], $0xffff  }
.Ltmp2:
0x1b0: {  	[tilespmem:s24+$0xFFFFFF50] =	vst v1;
	v1 =	vld.idx.msk [tilespmem:v25+s4+$0x0], $0xffff;
	(pc) =	sbr.rel @p0 .LBB2_7-.Ltmp2, $4  }
0x1b1: {  	[tilespmem:s24+$0xFFFFFF60] =	vst v2;
	v2 =	vld.idx.msk [tilespmem:v26+s4+$0x0], $0xffff  }
0x1b2: {  	[tilespmem:s24+$0xFFFFFF70] =	vst v3;
	v3 =	vld.idx.msk [tilespmem:v27+s4+$0x0], $0xffff  }
0x1b3: {  	[tilespmem:s24+$0xFFFFFF80] =	vst v4;
	v4 =	vld.idx.msk [tilespmem:v28+s4+$0x0], $0xffff  }
0x1b4: {  	s26 =	sadd.s32 $0x200, s26;
	[tilespmem:s24+$0xFFFFFF90] =	vst v6;
	v5 =	vld.idx.msk [tilespmem:v29+s4+$0x0], $0xffff  }
0x1b5: {  	[tilespmem:s24+$0xFFFFFFA0] =	vst v0  }
0x1b6: {  	[tilespmem:s24+$0xFFFFFFB0] =	vst v1  }
0x1b7: {  	[tilespmem:s24+$0xFFFFFFC0] =	vst v2  }
0x1b8: {  	[tilespmem:s24+$0xFFFFFFD0] =	vst v3  }
0x1b9: {  	[tilespmem:s24+$0xFFFFFFE0] =	vst v4  }
0x1ba: {  	s30 =	sadd.s32 s23, s8;
	[tilespmem:s24+$0xFFFFFFF0] =	vst v5  }
0x1bb: {  	[hbm4b:s30+s13] =	stream.strided.scatter [tilespmem:s17], [sflag:$0x3], $0x1000, s14, s13, $0x38;
	[tilespmem:$0x1F700] =	vst v63  }
0x1bc: {  	_ =	swait.ge [sflag:s18], $0x1000  }
0x1bd: {  	[sflag:s18] =	ssyncset.done $0x0  }
0x1be: {  	s31 =	simm.s32 $0x1B8F0;
	[sflag:s18] =	ssyncadd.s32 $0xFFFFF000  }
0x1bf: {  	v0 =	vld [tilespmem:s31+$0x0]  }
0x1c0: {  	v1 =	vld [tilespmem:s31+$0xFFFFFE20]  }
0x1c1: {  	v2 =	vld [tilespmem:s31+$0xFFFFFE30]  }
0x1c2: {  	v3 =	vld [tilespmem:s31+$0xFFFFFE40]  }
0x1c3: {  	v4 =	vld [tilespmem:s31+$0xFFFFFE50]  }
0x1c4: {  	v5 =	vld [tilespmem:s31+$0xFFFFFE60]  }
0x1c5: {  	v6 =	vld [tilespmem:s31+$0xFFFFFE70]  }
0x1c6: {  	v7 =	vld [tilespmem:s31+$0xFFFFFE80]  }
0x1c7: {  	v8 =	vld [tilespmem:s31+$0xFFFFFE90]  }
0x1c8: {  	v9 =	vld [tilespmem:s31+$0xFFFFFEA0]  }
0x1c9: {  	v10 =	vld [tilespmem:s31+$0xFFFFFEB0]  }
0x1ca: {  	v11 =	vld [tilespmem:s31+$0xFFFFFEC0]  }
0x1cb: {  	v12 =	vld [tilespmem:s31+$0xFFFFFED0]  }
0x1cc: {  	v13 =	vld [tilespmem:s31+$0xFFFFFEE0]  }
0x1cd: {  	v14 =	vld [tilespmem:s31+$0xFFFFFEF0]  }
0x1ce: {  	v15 =	vld [tilespmem:s31+$0xFFFFFF00]  }
0x1cf: {  	v16 =	vld [tilespmem:s31+$0xFFFFFF10]  }
0x1d0: {  	v17 =	vld [tilespmem:s31+$0xFFFFFF20]  }
0x1d1: {  	v18 =	vld [tilespmem:s31+$0xFFFFFF30]  }
0x1d2: {  	v19 =	vld [tilespmem:s31+$0xFFFFFF40]  }
0x1d3: {  	v20 =	vld [tilespmem:s31+$0xFFFFFF50]  }
0x1d4: {  	v21 =	vld [tilespmem:s31+$0xFFFFFF60]  }
0x1d5: {  	v22 =	vld [tilespmem:s31+$0xFFFFFF70]  }
0x1d6: {  	v23 =	vld [tilespmem:s31+$0xFFFFFF80]  }
0x1d7: {  	v24 =	vld [tilespmem:s31+$0xFFFFFF90]  }
0x1d8: {  	v25 =	vld [tilespmem:s31+$0xFFFFFFA0]  }
0x1d9: {  	v26 =	vld [tilespmem:s31+$0xFFFFFFB0]  }
0x1da: {  	v27 =	vld [tilespmem:s31+$0xFFFFFFC0]  }
0x1db: {  	v28 =	vld [tilespmem:s31+$0xFFFFFFD0]  }
0x1dc: {  	v29 =	vld [tilespmem:s31+$0xFFFFFFE0]  }
0x1dd: {  	v30 =	vld [tilespmem:s31+$0xFFFFFFF0]  }
0x1de: {  	v31 =	vld [tilespmem:s31+$0xFFFFFE10]  }
0x1df: {  	v0 =	vld.idx.msk [tilespmem:v0+s4+$0x0], $0xffff  }
0x1e0: {  	v1 =	vld.idx.msk [tilespmem:v1+s4+$0x0], $0xffff  }
0x1e1: {  	v2 =	vld.idx.msk [tilespmem:v2+s4+$0x0], $0xffff  }
0x1e2: {  	v3 =	vld.idx.msk [tilespmem:v3+s4+$0x0], $0xffff  }
0x1e3: {  	v4 =	vld.idx.msk [tilespmem:v4+s4+$0x0], $0xffff  }
0x1e4: {  	s24 =	simm.s32 $0x1C800;
	v5 =	vld.idx.msk [tilespmem:v5+s4+$0x0], $0xffff  }
0x1e5: {  	[tilespmem:s24+$0xF0] =	vst v0;
	v0 =	vld.idx.msk [tilespmem:v6+s4+$0x0], $0xffff  }
0x1e6: {  	[tilespmem:s24+$0xFFFFFF10] =	vst v1;
	v1 =	vld.idx.msk [tilespmem:v7+s4+$0x0], $0xffff  }
0x1e7: {  	v6 =	vld.idx.msk [tilespmem:v31+s4+$0x0], $0xffff;
	[tilespmem:s24+$0xFFFFFF20] =	vst v2  }
0x1e8: {  	[tilespmem:s24+$0xFFFFFF30] =	vst v3;
	v2 =	vld.idx.msk [tilespmem:v8+s4+$0x0], $0xffff  }
0x1e9: {  	[tilespmem:s24+$0xFFFFFF40] =	vst v4;
	v3 =	vld.idx.msk [tilespmem:v9+s4+$0x0], $0xffff  }
0x1ea: {  	[tilespmem:s24+$0xFFFFFF50] =	vst v5;
	v4 =	vld.idx.msk [tilespmem:v10+s4+$0x0], $0xffff  }
0x1eb: {  	v5 =	vld.idx.msk [tilespmem:v13+s4+$0x0], $0xffff;
	[tilespmem:s24+$0xFFFFFF60] =	vst v0  }
0x1ec: {  	v7 =	vld.idx.msk [tilespmem:v24+s4+$0x0], $0xffff;
	[tilespmem:s24+$0xFFFFFF70] =	vst v1  }
0x1ed: {  	v0 =	vld.idx.msk [tilespmem:v11+s4+$0x0], $0xffff;
	[tilespmem:s24+$0xFFFFFF00] =	vst v6  }
0x1ee: {  	v1 =	vld.idx.msk [tilespmem:v12+s4+$0x0], $0xffff;
	[tilespmem:s24+$0xFFFFFF80] =	vst v2  }
0x1ef: {  	v2 =	vld.idx.msk [tilespmem:v14+s4+$0x0], $0xffff;
	[tilespmem:s24+$0xFFFFFF90] =	vst v3  }
0x1f0: {  	v3 =	vld.idx.msk [tilespmem:v15+s4+$0x0], $0xffff;
	[tilespmem:s24+$0xFFFFFFA0] =	vst v4  }
0x1f1: {  	v4 =	vld.idx.msk [tilespmem:v16+s4+$0x0], $0xffff;
	[tilespmem:s24+$0xFFFFFFD0] =	vst v5  }
0x1f2: {  	v5 =	vld.idx.msk [tilespmem:v19+s4+$0x0], $0xffff;
	[tilespmem:s24+$0x80] =	vst v7  }
0x1f3: {  	v6 =	vld.idx.msk [tilespmem:v23+s4+$0x0], $0xffff;
	[tilespmem:s24+$0xFFFFFFB0] =	vst v0  }
0x1f4: {  	v0 =	vld.idx.msk [tilespmem:v17+s4+$0x0], $0xffff;
	[tilespmem:s24+$0xFFFFFFC0] =	vst v1  }
0x1f5: {  	v1 =	vld.idx.msk [tilespmem:v18+s4+$0x0], $0xffff;
	[tilespmem:s24+$0xFFFFFFE0] =	vst v2  }
0x1f6: {  	v2 =	vld.idx.msk [tilespmem:v20+s4+$0x0], $0xffff;
	[tilespmem:s24+$0xFFFFFFF0] =	vst v3  }
0x1f7: {  	v3 =	vld.idx.msk [tilespmem:v21+s4+$0x0], $0xffff;
	[tilespmem:s24+$0x0] =	vst v4  }
0x1f8: {  	v4 =	vld.idx.msk [tilespmem:v22+s4+$0x0], $0xffff;
	[tilespmem:s24+$0x30] =	vst v5  }
0x1f9: {  	[tilespmem:s24+$0x70] =	vst v6;
	v5 =	vld.idx.msk [tilespmem:v30+s4+$0x0], $0xffff  }
0x1fa: {  	[tilespmem:s24+$0x10] =	vst v0;
	v0 =	vld.idx.msk [tilespmem:v25+s4+$0x0], $0xffff  }
0x1fb: {  	[tilespmem:s24+$0x20] =	vst v1;
	v1 =	vld.idx.msk [tilespmem:v26+s4+$0x0], $0xffff  }
0x1fc: {  	[tilespmem:s24+$0x40] =	vst v2;
	v2 =	vld.idx.msk [tilespmem:v27+s4+$0x0], $0xffff  }
0x1fd: {  	[tilespmem:s24+$0x50] =	vst v3;
	v3 =	vld.idx.msk [tilespmem:v28+s4+$0x0], $0xffff  }
0x1fe: {  	s25 =	simm.s32 $0x0;
	s26 =	simm.s32 $0x1BAF0;
	[tilespmem:s24+$0x60] =	vst v4;
	v4 =	vld.idx.msk [tilespmem:v29+s4+$0x0], $0xffff  }
.LBB2_9:
0x1ff: {  	v6 =	vld [tilespmem:s26+$0x0];
	s25 =	sadd.s32 $0x20, s25;
	[tilespmem:s24+$0x90] =	vst v0  }
0x200: {  	v0 =	vld [tilespmem:s26+$0xFFFFFE20];
	p0 =	slt.u32 s25, $0xE0;
	[tilespmem:s24+$0xA0] =	vst v1  }
0x201: {  	v1 =	vld [tilespmem:s26+$0xFFFFFE30];
	[tilespmem:s24+$0xB0] =	vst v2  }
0x202: {  	v2 =	vld [tilespmem:s26+$0xFFFFFE40];
	[tilespmem:s24+$0xC0] =	vst v3  }
0x203: {  	v3 =	vld [tilespmem:s26+$0xFFFFFE50];
	[tilespmem:s24+$0xD0] =	vst v4  }
0x204: {  	v4 =	vld [tilespmem:s26+$0xFFFFFE60];
	[tilespmem:s24+$0xE0] =	vst v5  }
0x205: {  	v5 =	vld [tilespmem:s26+$0xFFFFFE70]  }
0x206: {  	v7 =	vld [tilespmem:s26+$0xFFFFFE80]  }
0x207: {  	v6 =	vld.idx.msk [tilespmem:v6+s4+$0x0], $0xffff  }
0x208: {  	v8 =	vld [tilespmem:s26+$0xFFFFFE90]  }
0x209: {  	v9 =	vld [tilespmem:s26+$0xFFFFFEA0]  }
0x20a: {  	v10 =	vld [tilespmem:s26+$0xFFFFFEB0]  }
0x20b: {  	v11 =	vld [tilespmem:s26+$0xFFFFFEC0]  }
0x20c: {  	s24 =	sadd.s32 $0x200, s24;
	v12 =	vld [tilespmem:s26+$0xFFFFFED0]  }
0x20d: {  	v13 =	vld [tilespmem:s26+$0xFFFFFEE0];
	[tilespmem:s24+$0xF0] =	vst v6  }
0x20e: {  	v6 =	vld [tilespmem:s26+$0xFFFFFEF0]  }
0x20f: {  	v14 =	vld [tilespmem:s26+$0xFFFFFF00]  }
0x210: {  	v15 =	vld [tilespmem:s26+$0xFFFFFF10]  }
0x211: {  	v16 =	vld [tilespmem:s26+$0xFFFFFF20]  }
0x212: {  	v17 =	vld [tilespmem:s26+$0xFFFFFF30]  }
0x213: {  	v18 =	vld [tilespmem:s26+$0xFFFFFF40]  }
0x214: {  	v19 =	vld [tilespmem:s26+$0xFFFFFF50]  }
0x215: {  	v20 =	vld [tilespmem:s26+$0xFFFFFF60]  }
0x216: {  	v21 =	vld [tilespmem:s26+$0xFFFFFF70]  }
0x217: {  	v22 =	vld [tilespmem:s26+$0xFFFFFF80]  }
0x218: {  	v23 =	vld [tilespmem:s26+$0xFFFFFF90]  }
0x219: {  	v24 =	vld [tilespmem:s26+$0xFFFFFFA0]  }
0x21a: {  	v25 =	vld [tilespmem:s26+$0xFFFFFFB0]  }
0x21b: {  	v26 =	vld [tilespmem:s26+$0xFFFFFFC0]  }
0x21c: {  	v27 =	vld [tilespmem:s26+$0xFFFFFFD0]  }
0x21d: {  	v28 =	vld [tilespmem:s26+$0xFFFFFFE0]  }
0x21e: {  	v29 =	vld [tilespmem:s26+$0xFFFFFFF0]  }
0x21f: {  	v30 =	vld [tilespmem:s26+$0xFFFFFE10]  }
0x220: {  	v0 =	vld.idx.msk [tilespmem:v0+s4+$0x0], $0xffff  }
0x221: {  	v1 =	vld.idx.msk [tilespmem:v1+s4+$0x0], $0xffff  }
0x222: {  	v2 =	vld.idx.msk [tilespmem:v2+s4+$0x0], $0xffff  }
0x223: {  	v3 =	vld.idx.msk [tilespmem:v3+s4+$0x0], $0xffff  }
0x224: {  	v4 =	vld.idx.msk [tilespmem:v4+s4+$0x0], $0xffff  }
0x225: {  	v5 =	vld.idx.msk [tilespmem:v5+s4+$0x0], $0xffff  }
0x226: {  	[tilespmem:s24+$0xFFFFFF10] =	vst v0;
	v0 =	vld.idx.msk [tilespmem:v7+s4+$0x0], $0xffff  }
0x227: {  	v7 =	vld.idx.msk [tilespmem:v30+s4+$0x0], $0xffff;
	[tilespmem:s24+$0xFFFFFF20] =	vst v1  }
0x228: {  	[tilespmem:s24+$0xFFFFFF30] =	vst v2;
	v1 =	vld.idx.msk [tilespmem:v8+s4+$0x0], $0xffff  }
0x229: {  	[tilespmem:s24+$0xFFFFFF40] =	vst v3;
	v2 =	vld.idx.msk [tilespmem:v9+s4+$0x0], $0xffff  }
0x22a: {  	[tilespmem:s24+$0xFFFFFF50] =	vst v4;
	v3 =	vld.idx.msk [tilespmem:v10+s4+$0x0], $0xffff  }
0x22b: {  	[tilespmem:s24+$0xFFFFFF60] =	vst v5;
	v4 =	vld.idx.msk [tilespmem:v11+s4+$0x0], $0xffff  }
0x22c: {  	[tilespmem:s24+$0xFFFFFF70] =	vst v0;
	v0 =	vld.idx.msk [tilespmem:v12+s4+$0x0], $0xffff  }
0x22d: {  	[tilespmem:s24+$0xFFFFFF00] =	vst v7;
	v5 =	vld.idx.msk [tilespmem:v13+s4+$0x0], $0xffff  }
0x22e: {  	[tilespmem:s24+$0xFFFFFF80] =	vst v1;
	v1 =	vld.idx.msk [tilespmem:v6+s4+$0x0], $0xffff  }
0x22f: {  	[tilespmem:s24+$0xFFFFFF90] =	vst v2;
	v2 =	vld.idx.msk [tilespmem:v14+s4+$0x0], $0xffff  }
0x230: {  	[tilespmem:s24+$0xFFFFFFA0] =	vst v3;
	v3 =	vld.idx.msk [tilespmem:v15+s4+$0x0], $0xffff  }
0x231: {  	[tilespmem:s24+$0xFFFFFFB0] =	vst v4;
	v4 =	vld.idx.msk [tilespmem:v16+s4+$0x0], $0xffff  }
0x232: {  	[tilespmem:s24+$0xFFFFFFC0] =	vst v0;
	v0 =	vld.idx.msk [tilespmem:v17+s4+$0x0], $0xffff  }
0x233: {  	[tilespmem:s24+$0xFFFFFFD0] =	vst v5;
	v5 =	vld.idx.msk [tilespmem:v18+s4+$0x0], $0xffff  }
0x234: {  	[tilespmem:s24+$0xFFFFFFE0] =	vst v1;
	v1 =	vld.idx.msk [tilespmem:v19+s4+$0x0], $0xffff  }
0x235: {  	[tilespmem:s24+$0xFFFFFFF0] =	vst v2;
	v2 =	vld.idx.msk [tilespmem:v20+s4+$0x0], $0xffff  }
0x236: {  	[tilespmem:s24+$0x0] =	vst v3;
	v3 =	vld.idx.msk [tilespmem:v21+s4+$0x0], $0xffff  }
0x237: {  	[tilespmem:s24+$0x10] =	vst v4;
	v4 =	vld.idx.msk [tilespmem:v22+s4+$0x0], $0xffff  }
0x238: {  	[tilespmem:s24+$0x20] =	vst v0;
	v6 =	vld.idx.msk [tilespmem:v23+s4+$0x0], $0xffff  }
0x239: {  	[tilespmem:s24+$0x30] =	vst v5;
	v0 =	vld.idx.msk [tilespmem:v24+s4+$0x0], $0xffff  }
.Ltmp3:
0x23a: {  	[tilespmem:s24+$0x40] =	vst v1;
	v1 =	vld.idx.msk [tilespmem:v25+s4+$0x0], $0xffff;
	(pc) =	sbr.rel @p0 .LBB2_9-.Ltmp3, $4  }
0x23b: {  	[tilespmem:s24+$0x50] =	vst v2;
	v2 =	vld.idx.msk [tilespmem:v26+s4+$0x0], $0xffff  }
0x23c: {  	[tilespmem:s24+$0x60] =	vst v3;
	v3 =	vld.idx.msk [tilespmem:v27+s4+$0x0], $0xffff  }
0x23d: {  	[tilespmem:s24+$0x70] =	vst v4;
	v4 =	vld.idx.msk [tilespmem:v28+s4+$0x0], $0xffff  }
0x23e: {  	s26 =	sadd.s32 $0x200, s26;
	[tilespmem:s24+$0x80] =	vst v6;
	v5 =	vld.idx.msk [tilespmem:v29+s4+$0x0], $0xffff  }
0x23f: {  	[tilespmem:s24+$0x90] =	vst v0;
	s22 =	sadd.s32 $0x1, s22  }
0x240: {  	[tilespmem:s24+$0xA0] =	vst v1;
	p0 =	sne.s32 s22, $0x1A  }
.Ltmp4:
0x241: {  	[tilespmem:s24+$0xB0] =	vst v2;
	(pc) =	sbr.rel @p0 .LBB2_2-.Ltmp4, $4  }
0x242: {  	[tilespmem:s24+$0xC0] =	vst v3  }
0x243: {  	[tilespmem:s24+$0xD0] =	vst v4  }
0x244: {  	s23 =	sadd.s32 s23, s9;
	[tilespmem:s24+$0xE0] =	vst v5  }
0x245: {  	[hbm4b:s23+s13] =	stream.strided.scatter [tilespmem:s15], [sflag:$0x1], $0x1000, s14, s13, $0x38;
	[tilespmem:$0x1F700] =	vst v63  }
0x246: {  	_ =	swait.ge [sflag:s18], $0x1000  }
0x247: {  	[sflag:s18] =	ssyncset.done $0x0  }
0x248: {  	s21 =	sadd.s32 $0x1, s21;
	[sflag:s18] =	ssyncadd.s32 $0xFFFFF000  }
0x249: {  	p0 =	sne.s32 s21, s10;
	_ =	swait.ge [sflag:s19], $0x1000  }
.Ltmp5:
0x24a: {  	[sflag:s19] =	ssyncset.done $0x0;
	(pc) =	sbr.rel @p0 .LBB2_1-.Ltmp5, $4  }
0x24b: {  	[sflag:s19] =	ssyncadd.s32 $0xFFFFF000  }
0x24c: {  	_ =	swait.ge [sflag:s20], $0x1000  }
0x24d: {  	[sflag:s20] =	ssyncset.done $0x0  }
0x24e: {  	[sflag:s20] =	ssyncadd.s32 $0xFFFFF000  }
0x24f: {  	_ =	sfence.sel $0x180000  }
0x250: {  	[bflag:$0x0] =	sbarrier.arrive $0xFFFF  }
0x251: {  	p0 =	sne.s32 s3, $0x0;
	_ =	strace $0x90000047  }
0x252: {  	s0 =	sadd.s32 @!p0 $0x100000, s0;
	[bflag:$0x2] =	sbarrier.arrive $0xFFFF  }
0x253: {  	[sflag:s0] =	ssyncadd.tile.s32 @!p0 $0x1;
	_ =	shalt  }
.Lfunc_end2:
_tile_overlayer_lowered:
.L_overlay_start_2:
0x254: {  	(tag) =	ssettag $0x2  }
0x255: {  	s0 =	rddreg [dreg:$0x0];
	s2 =	stileid.u32  }
0x256: {  	s1 =	rddreg [dreg:$0x1];
	p0 =	sne.s32 s2, $0x0  }
0x257: {  	s3 =	rddreg [dreg:$0x2];
	[bflag:$0x3] =	sbarrier.arrive $0xFFFF;
	s2 =	simm.s32 @!p0 $0x1C04  }
0x258: {  	[timem:s3], [sflag:s2] =	dma.local @!p0 [hbm:s0], s1  }
0x259: {  	s0 =	simm.s32 @!p0 $0x4  }
0x25a: {  	_ =	swait.ge @!p0 [sflag:s0], s1  }
0x25b: {  	s1 =	ssub.s32 @!p0 $0x0, s1;
	[sflag:s0] =	ssyncset.done @!p0 $0x0  }
0x25c: {  	[sflag:s0] =	ssyncadd.s32 @!p0 s1  }
0x25d: {  	[bflag:$0x3] =	sbarrier.arrive $0xFFFF  }
0x25e: {  	_ =	shalt  }

</sc_bundles>
